<compile_context>
chip_gen: v7x
topology: tpu7x:2x2x1
jax: 0.10.2.dev20260603
libtpu: 0.0.44.dev20260713+nightly
codegen_flags: <defaults>
</compile_context>

<pallas_src>
import dataclasses
import functools

import jax
import jax.numpy as jnp
from jax import lax
from jax.experimental import pallas as pl
from jax.experimental.pallas import tpu as pltpu
from jax.experimental.pallas import tpu_sc as plsc

N_BINS = 15
NSLOTS = 16
LANES = 16
NW = 32
CHUNK = 16384

TC_BLOCK_ROWS = 8192
TC_ELEMS_PER_BLOCK = TC_BLOCK_ROWS * 128
TC_BLOCKS = 6


def _sc_hist(conf_hbm, acc_hbm, out_hbm, cnt_ref, dsum_ref):
    zeros = jnp.zeros((LANES,), jnp.float32)
    for r in range(NSLOTS):
        cnt_ref[r, :] = zeros
        dsum_ref[r, :] = zeros

    lanes = lax.iota(jnp.int32, LANES)
    ones = jnp.ones((LANES,), jnp.float32)

    def body(c_vm, a_vm):
        @plsc.parallel_loop(0, CHUNK, step=LANES, unroll=16)
        def _(j):
            c = c_vm[pl.ds(j, LANES)]
            a = a_vm[pl.ds(j, LANES)]
            b = (c * jnp.float32(N_BINS)).astype(jnp.int32)
            b = jnp.clip(b, 0, NSLOTS - 1)
            plsc.addupdate_scatter(cnt_ref, [b, lanes], ones)
            plsc.addupdate_scatter(dsum_ref, [b, lanes], c - a)

    n = conf_hbm.shape[0]
    skip = TC_BLOCKS * TC_ELEMS_PER_BLOCK // CHUNK
    pltpu.emit_pipeline(
        body,
        grid=(n // CHUNK - skip,),
        in_specs=[
            pl.BlockSpec((CHUNK,), lambda i: (i + skip,)),
            pl.BlockSpec((CHUNK,), lambda i: (i + skip,)),
        ],
        out_specs=[],
        core_axis_name=("c", "s"),
        dimension_semantics=(pltpu.PARALLEL,),
    )(conf_hbm, acc_hbm)

    wid = lax.axis_index("c") * 16 + lax.axis_index("s")
    pltpu.sync_copy(cnt_ref, out_hbm.at[0, wid])
    pltpu.sync_copy(dsum_ref, out_hbm.at[1, wid])


def _tc_hist_body(c_ref, a_ref, o_ref, acc_ref):
    step = pl.program_id(0)

    @pl.when(step == 0)
    def _init():
        acc_ref[...] = jnp.zeros_like(acc_ref)

    c = c_ref[...]
    a = a_ref[...]
    b = jnp.ceil(c * jnp.float32(N_BINS)) - jnp.float32(1.0)
    d = c - a
    for k in range(N_BINS):
        mf = (b == jnp.float32(k)).astype(jnp.float32)
        acc_ref[k, :] += jnp.sum(mf, axis=0)
        acc_ref[k + 16, :] += jnp.sum(mf * d, axis=0)

    @pl.when(step == pl.num_programs(0) - 1)
    def _finish():
        o_ref[...] = acc_ref[...]


def _finish_body(n_total, sc_ref, tc_ref, o_ref):
    sc = sc_ref[...]
    tot = jnp.sum(sc, axis=(1, 3))
    tc = jnp.reshape(tc_ref[...], (2, 16, 128))
    tot = tot + jnp.sum(tc, axis=2)
    cnt = tot[0:1, 0:N_BINS]
    dsum = tot[1:2, 0:N_BINS]
    safe = jnp.maximum(cnt, 1.0)
    diff = dsum / safe
    contrib = diff * diff * (cnt / jnp.float32(n_total))
    contrib = jnp.where(cnt > 0, contrib, 0.0)
    o_ref[...] = jnp.sum(contrib, axis=(0, 1), keepdims=True)


def kernel(confidences, accuracies):
    n = confidences.shape[0]
    mesh = plsc.VectorSubcoreMesh(core_axis_name="c", subcore_axis_name="s")
    cp = pltpu.CompilerParams()
    if "needs_layout_passes" in pltpu.CompilerParams.__dataclass_fields__:
        cp = dataclasses.replace(cp, needs_layout_passes=False)
    hist_sc = pl.kernel(
        _sc_hist,
        out_type=jax.ShapeDtypeStruct((2, NW, NSLOTS, LANES), jnp.float32),
        mesh=mesh,
        scratch_types=[
            pltpu.VMEM((NSLOTS, LANES), jnp.float32),
            pltpu.VMEM((NSLOTS, LANES), jnp.float32),
        ],
        compiler_params=cp,
    )(confidences, accuracies)

    part_tc = pl.pallas_call(
        _tc_hist_body,
        grid=(TC_BLOCKS,),
        in_specs=[
            pl.BlockSpec((TC_BLOCK_ROWS, 128), lambda i: (i, 0)),
            pl.BlockSpec((TC_BLOCK_ROWS, 128), lambda i: (i, 0)),
        ],
        out_specs=pl.BlockSpec((32, 128), lambda i: (0, 0)),
        out_shape=jax.ShapeDtypeStruct((32, 128), jnp.float32),
        scratch_shapes=[pltpu.VMEM((32, 128), jnp.float32)],
    )(
        confidences.reshape(n // 128, 128),
        accuracies.reshape(n // 128, 128),
    )

    out = pl.pallas_call(
        functools.partial(_finish_body, n),
        out_shape=jax.ShapeDtypeStruct((1, 1), jnp.float32),
    )(hist_sc, part_tc)
    return out[0, 0]

# --- scband reference (transcript-rebuilt; emitter-appended) ---
"""Pipeline reference for scband-l2-eceloss-79809082294501 (READ-ONLY COPY).

The authoritative reference and input builder live on the scoring server;
editing this copy changes nothing except your own understanding.
"""

import jax, jax.numpy as jnp
import numpy as np

N_BINS = 15
N = 16777216


def setup_inputs(seed: int = 0) -> dict:
    key = jax.random.key(seed)
    k1, k2 = jax.random.split(key)
    confidences = jax.random.uniform(k1, (N,), dtype=jnp.float32)
    accuracies = jax.random.uniform(k2, (N,), dtype=jnp.float32)
    return {"confidences": confidences, "accuracies": accuracies}


def reference(confidences, accuracies):
    bin_boundaries = jnp.linspace(0.0, 1.0, N_BINS + 1, dtype=jnp.float32)
    bin_lowers = bin_boundaries[:-1]
    bin_uppers = bin_boundaries[1:]
    ece = jnp.asarray(0.0, dtype=jnp.float32)
    for i in range(N_BINS):
        bin_lower = bin_lowers[i]
        bin_upper = bin_uppers[i]
        in_bin = (confidences > bin_lower) & (confidences <= bin_upper)
        in_bin_f = in_bin.astype(jnp.float32)
        count = in_bin_f.sum()
        prop_in_bin = in_bin_f.mean()
        safe_count = jnp.maximum(count, 1.0)
        accuracy_in_bin = (accuracies * in_bin_f).sum() / safe_count
        avg_confidence_in_bin = (confidences * in_bin_f).sum() / safe_count
        contrib = jnp.square(avg_confidence_in_bin - accuracy_in_bin) * prop_in_bin
        ece = ece + jnp.where(count > 0, contrib, 0.0)
    return ece

if __name__ == "__main__":
    import jax
    _d = setup_inputs()
    print(jax.jit(kernel)(*tuple(_d.values())))

</pallas_src>

<mosaic_0001>
#map = affine_map<(d0, d1) -> (0)>
#map1 = affine_map<(d0, d1) -> (0, 0, 0, 0)>
module attributes {stable_mosaic.version = 14 : i64} {
  func.func @_sc_hist(%arg0: i32, %arg1: i32, %arg2: memref<16777216xf32, #tpu.memory_space<hbm>>, %arg3: memref<16777216xf32, #tpu.memory_space<hbm>>, %arg4: memref<2x32x16x16xf32, #tpu.memory_space<hbm>>, %arg5: memref<16x16xf32, #tpu.memory_space<vmem>>, %arg6: memref<16x16xf32, #tpu.memory_space<vmem>>) attributes {dimension_semantics = [#tpu.dimension_semantics<core_parallel>, #tpu.dimension_semantics<subcore_parallel>], iteration_bounds = array<i64: 2, 16>, scalar_prefetch = 0 : i64, scratch_operands = 2 : i64, tpu.core_type = #tpu.core_type<sc_vector_subcore>, window_params = [{transform_indices = #map}, {transform_indices = #map}, {transform_indices = #map1}]} {
    %broadcast_in_dim3A = arith.constant 0.000000e+00 : f32
    %broadcast_in_dim3A_0 = vector.broadcast %broadcast_in_dim3A : f32 to vector<16xf32>
    %swap3A = arith.constant 0 : i32
    %swap3A_1 = arith.index_cast %swap3A : i32 to index
    %swap3A_2 = arith.constant 0 : index
    %swap3A_3 = tpu.vector_load %arg5[%swap3A_1, %swap3A_2] {strides = array<i32>} : memref<16x16xf32, #tpu.memory_space<vmem>>, vector<16xf32>,
    tpu.vector_store %arg5[%swap3A_1, %swap3A_2], %broadcast_in_dim3A_0 {strides = array<i32>} : memref<16x16xf32, #tpu.memory_space<vmem>>, vector<16xf32>,
    %swap3A_4 = arith.constant 0 : i32
    %swap3A_5 = arith.index_cast %swap3A_4 : i32 to index
    %swap3A_6 = arith.constant 0 : index
    %swap3A_7 = tpu.vector_load %arg6[%swap3A_5, %swap3A_6] {strides = array<i32>} : memref<16x16xf32, #tpu.memory_space<vmem>>, vector<16xf32>,
    tpu.vector_store %arg6[%swap3A_5, %swap3A_6], %broadcast_in_dim3A_0 {strides = array<i32>} : memref<16x16xf32, #tpu.memory_space<vmem>>, vector<16xf32>,
    %swap3A_8 = arith.constant 1 : i32
    %swap3A_9 = arith.index_cast %swap3A_8 : i32 to index
    %swap3A_10 = arith.constant 0 : index
    %swap3A_11 = tpu.vector_load %arg5[%swap3A_9, %swap3A_10] {strides = array<i32>} : memref<16x16xf32, #tpu.memory_space<vmem>>, vector<16xf32>,
    tpu.vector_store %arg5[%swap3A_9, %swap3A_10], %broadcast_in_dim3A_0 {strides = array<i32>} : memref<16x16xf32, #tpu.memory_space<vmem>>, vector<16xf32>,
    %swap3A_12 = arith.constant 1 : i32
    %swap3A_13 = arith.index_cast %swap3A_12 : i32 to index
    %swap3A_14 = arith.constant 0 : index
    %swap3A_15 = tpu.vector_load %arg6[%swap3A_13, %swap3A_14] {strides = array<i32>} : memref<16x16xf32, #tpu.memory_space<vmem>>, vector<16xf32>,
    tpu.vector_store %arg6[%swap3A_13, %swap3A_14], %broadcast_in_dim3A_0 {strides = array<i32>} : memref<16x16xf32, #tpu.memory_space<vmem>>, vector<16xf32>,
    %swap3A_16 = arith.constant 2 : i32
    %swap3A_17 = arith.index_cast %swap3A_16 : i32 to index
    %swap3A_18 = arith.constant 0 : index
    %swap3A_19 = tpu.vector_load %arg5[%swap3A_17, %swap3A_18] {strides = array<i32>} : memref<16x16xf32, #tpu.memory_space<vmem>>, vector<16xf32>,
    tpu.vector_store %arg5[%swap3A_17, %swap3A_18], %broadcast_in_dim3A_0 {strides = array<i32>} : memref<16x16xf32, #tpu.memory_space<vmem>>, vector<16xf32>,
    %swap3A_20 = arith.constant 2 : i32
    %swap3A_21 = arith.index_cast %swap3A_20 : i32 to index
    %swap3A_22 = arith.constant 0 : index
    %swap3A_23 = tpu.vector_load %arg6[%swap3A_21, %swap3A_22] {strides = array<i32>} : memref<16x16xf32, #tpu.memory_space<vmem>>, vector<16xf32>,
    tpu.vector_store %arg6[%swap3A_21, %swap3A_22], %broadcast_in_dim3A_0 {strides = array<i32>} : memref<16x16xf32, #tpu.memory_space<vmem>>, vector<16xf32>,
    %swap3A_24 = arith.constant 3 : i32
    %swap3A_25 = arith.index_cast %swap3A_24 : i32 to index
    %swap3A_26 = arith.constant 0 : index
    %swap3A_27 = tpu.vector_load %arg5[%swap3A_25, %swap3A_26] {strides = array<i32>} : memref<16x16xf32, #tpu.memory_space<vmem>>, vector<16xf32>,
    tpu.vector_store %arg5[%swap3A_25, %swap3A_26], %broadcast_in_dim3A_0 {strides = array<i32>} : memref<16x16xf32, #tpu.memory_space<vmem>>, vector<16xf32>,
    %swap3A_28 = arith.constant 3 : i32
    %swap3A_29 = arith.index_cast %swap3A_28 : i32 to index
    %swap3A_30 = arith.constant 0 : index
    %swap3A_31 = tpu.vector_load %arg6[%swap3A_29, %swap3A_30] {strides = array<i32>} : memref<16x16xf32, #tpu.memory_space<vmem>>, vector<16xf32>,
    tpu.vector_store %arg6[%swap3A_29, %swap3A_30], %broadcast_in_dim3A_0 {strides = array<i32>} : memref<16x16xf32, #tpu.memory_space<vmem>>, vector<16xf32>,
    %swap3A_32 = arith.constant 4 : i32
    %swap3A_33 = arith.index_cast %swap3A_32 : i32 to index
    %swap3A_34 = arith.constant 0 : index
    %swap3A_35 = tpu.vector_load %arg5[%swap3A_33, %swap3A_34] {strides = array<i32>} : memref<16x16xf32, #tpu.memory_space<vmem>>, vector<16xf32>,
    tpu.vector_store %arg5[%swap3A_33, %swap3A_34], %broadcast_in_dim3A_0 {strides = array<i32>} : memref<16x16xf32, #tpu.memory_space<vmem>>, vector<16xf32>,
    %swap3A_36 = arith.constant 4 : i32
    %swap3A_37 = arith.index_cast %swap3A_36 : i32 to index
    %swap3A_38 = arith.constant 0 : index
    %swap3A_39 = tpu.vector_load %arg6[%swap3A_37, %swap3A_38] {strides = array<i32>} : memref<16x16xf32, #tpu.memory_space<vmem>>, vector<16xf32>,
    tpu.vector_store %arg6[%swap3A_37, %swap3A_38], %broadcast_in_dim3A_0 {strides = array<i32>} : memref<16x16xf32, #tpu.memory_space<vmem>>, vector<16xf32>,
    %swap3A_40 = arith.constant 5 : i32
    %swap3A_41 = arith.index_cast %swap3A_40 : i32 to index
    %swap3A_42 = arith.constant 0 : index
    %swap3A_43 = tpu.vector_load %arg5[%swap3A_41, %swap3A_42] {strides = array<i32>} : memref<16x16xf32, #tpu.memory_space<vmem>>, vector<16xf32>,
    tpu.vector_store %arg5[%swap3A_41, %swap3A_42], %broadcast_in_dim3A_0 {strides = array<i32>} : memref<16x16xf32, #tpu.memory_space<vmem>>, vector<16xf32>,
    %swap3A_44 = arith.constant 5 : i32
    %swap3A_45 = arith.index_cast %swap3A_44 : i32 to index
    %swap3A_46 = arith.constant 0 : index
    %swap3A_47 = tpu.vector_load %arg6[%swap3A_45, %swap3A_46] {strides = array<i32>} : memref<16x16xf32, #tpu.memory_space<vmem>>, vector<16xf32>,
    tpu.vector_store %arg6[%swap3A_45, %swap3A_46], %broadcast_in_dim3A_0 {strides = array<i32>} : memref<16x16xf32, #tpu.memory_space<vmem>>, vector<16xf32>,
    %swap3A_48 = arith.constant 6 : i32
    %swap3A_49 = arith.index_cast %swap3A_48 : i32 to index
    %swap3A_50 = arith.constant 0 : index
    %swap3A_51 = tpu.vector_load %arg5[%swap3A_49, %swap3A_50] {strides = array<i32>} : memref<16x16xf32, #tpu.memory_space<vmem>>, vector<16xf32>,
    tpu.vector_store %arg5[%swap3A_49, %swap3A_50], %broadcast_in_dim3A_0 {strides = array<i32>} : memref<16x16xf32, #tpu.memory_space<vmem>>, vector<16xf32>,
    %swap3A_52 = arith.constant 6 : i32
    %swap3A_53 = arith.index_cast %swap3A_52 : i32 to index
    %swap3A_54 = arith.constant 0 : index
    %swap3A_55 = tpu.vector_load %arg6[%swap3A_53, %swap3A_54] {strides = array<i32>} : memref<16x16xf32, #tpu.memory_space<vmem>>, vector<16xf32>,
    tpu.vector_store %arg6[%swap3A_53, %swap3A_54], %broadcast_in_dim3A_0 {strides = array<i32>} : memref<16x16xf32, #tpu.memory_space<vmem>>, vector<16xf32>,
    %swap3A_56 = arith.constant 7 : i32
    %swap3A_57 = arith.index_cast %swap3A_56 : i32 to index
    %swap3A_58 = arith.constant 0 : index
    %swap3A_59 = tpu.vector_load %arg5[%swap3A_57, %swap3A_58] {strides = array<i32>} : memref<16x16xf32, #tpu.memory_space<vmem>>, vector<16xf32>,
    tpu.vector_store %arg5[%swap3A_57, %swap3A_58], %broadcast_in_dim3A_0 {strides = array<i32>} : memref<16x16xf32, #tpu.memory_space<vmem>>, vector<16xf32>,
    %swap3A_60 = arith.constant 7 : i32
    %swap3A_61 = arith.index_cast %swap3A_60 : i32 to index
    %swap3A_62 = arith.constant 0 : index
    %swap3A_63 = tpu.vector_load %arg6[%swap3A_61, %swap3A_62] {strides = array<i32>} : memref<16x16xf32, #tpu.memory_space<vmem>>, vector<16xf32>,
    tpu.vector_store %arg6[%swap3A_61, %swap3A_62], %broadcast_in_dim3A_0 {strides = array<i32>} : memref<16x16xf32, #tpu.memory_space<vmem>>, vector<16xf32>,
    %swap3A_64 = arith.constant 8 : i32
    %swap3A_65 = arith.index_cast %swap3A_64 : i32 to index
    %swap3A_66 = arith.constant 0 : index
    %swap3A_67 = tpu.vector_load %arg5[%swap3A_65, %swap3A_66] {strides = array<i32>} : memref<16x16xf32, #tpu.memory_space<vmem>>, vector<16xf32>,
    tpu.vector_store %arg5[%swap3A_65, %swap3A_66], %broadcast_in_dim3A_0 {strides = array<i32>} : memref<16x16xf32, #tpu.memory_space<vmem>>, vector<16xf32>,
    %swap3A_68 = arith.constant 8 : i32
    %swap3A_69 = arith.index_cast %swap3A_68 : i32 to index
    %swap3A_70 = arith.constant 0 : index
    %swap3A_71 = tpu.vector_load %arg6[%swap3A_69, %swap3A_70] {strides = array<i32>} : memref<16x16xf32, #tpu.memory_space<vmem>>, vector<16xf32>,
    tpu.vector_store %arg6[%swap3A_69, %swap3A_70], %broadcast_in_dim3A_0 {strides = array<i32>} : memref<16x16xf32, #tpu.memory_space<vmem>>, vector<16xf32>,
    %swap3A_72 = arith.constant 9 : i32
    %swap3A_73 = arith.index_cast %swap3A_72 : i32 to index
    %swap3A_74 = arith.constant 0 : index
    %swap3A_75 = tpu.vector_load %arg5[%swap3A_73, %swap3A_74] {strides = array<i32>} : memref<16x16xf32, #tpu.memory_space<vmem>>, vector<16xf32>,
    tpu.vector_store %arg5[%swap3A_73, %swap3A_74], %broadcast_in_dim3A_0 {strides = array<i32>} : memref<16x16xf32, #tpu.memory_space<vmem>>, vector<16xf32>,
    %swap3A_76 = arith.constant 9 : i32
    %swap3A_77 = arith.index_cast %swap3A_76 : i32 to index
    %swap3A_78 = arith.constant 0 : index
    %swap3A_79 = tpu.vector_load %arg6[%swap3A_77, %swap3A_78] {strides = array<i32>} : memref<16x16xf32, #tpu.memory_space<vmem>>, vector<16xf32>,
    tpu.vector_store %arg6[%swap3A_77, %swap3A_78], %broadcast_in_dim3A_0 {strides = array<i32>} : memref<16x16xf32, #tpu.memory_space<vmem>>, vector<16xf32>,
    %swap3A_80 = arith.constant 10 : i32
    %swap3A_81 = arith.index_cast %swap3A_80 : i32 to index
    %swap3A_82 = arith.constant 0 : index
    %swap3A_83 = tpu.vector_load %arg5[%swap3A_81, %swap3A_82] {strides = array<i32>} : memref<16x16xf32, #tpu.memory_space<vmem>>, vector<16xf32>,
    tpu.vector_store %arg5[%swap3A_81, %swap3A_82], %broadcast_in_dim3A_0 {strides = array<i32>} : memref<16x16xf32, #tpu.memory_space<vmem>>, vector<16xf32>,
    %swap3A_84 = arith.constant 10 : i32
    %swap3A_85 = arith.index_cast %swap3A_84 : i32 to index
    %swap3A_86 = arith.constant 0 : index
    %swap3A_87 = tpu.vector_load %arg6[%swap3A_85, %swap3A_86] {strides = array<i32>} : memref<16x16xf32, #tpu.memory_space<vmem>>, vector<16xf32>,
    tpu.vector_store %arg6[%swap3A_85, %swap3A_86], %broadcast_in_dim3A_0 {strides = array<i32>} : memref<16x16xf32, #tpu.memory_space<vmem>>, vector<16xf32>,
    %swap3A_88 = arith.constant 11 : i32
    %swap3A_89 = arith.index_cast %swap3A_88 : i32 to index
    %swap3A_90 = arith.constant 0 : index
    %swap3A_91 = tpu.vector_load %arg5[%swap3A_89, %swap3A_90] {strides = array<i32>} : memref<16x16xf32, #tpu.memory_space<vmem>>, vector<16xf32>,
    tpu.vector_store %arg5[%swap3A_89, %swap3A_90], %broadcast_in_dim3A_0 {strides = array<i32>} : memref<16x16xf32, #tpu.memory_space<vmem>>, vector<16xf32>,
    %swap3A_92 = arith.constant 11 : i32
    %swap3A_93 = arith.index_cast %swap3A_92 : i32 to index
    %swap3A_94 = arith.constant 0 : index
    %swap3A_95 = tpu.vector_load %arg6[%swap3A_93, %swap3A_94] {strides = array<i32>} : memref<16x16xf32, #tpu.memory_space<vmem>>, vector<16xf32>,
    tpu.vector_store %arg6[%swap3A_93, %swap3A_94], %broadcast_in_dim3A_0 {strides = array<i32>} : memref<16x16xf32, #tpu.memory_space<vmem>>, vector<16xf32>,
    %swap3A_96 = arith.constant 12 : i32
    %swap3A_97 = arith.index_cast %swap3A_96 : i32 to index
    %swap3A_98 = arith.constant 0 : index
    %swap3A_99 = tpu.vector_load %arg5[%swap3A_97, %swap3A_98] {strides = array<i32>} : memref<16x16xf32, #tpu.memory_space<vmem>>, vector<16xf32>,
    tpu.vector_store %arg5[%swap3A_97, %swap3A_98], %broadcast_in_dim3A_0 {strides = array<i32>} : memref<16x16xf32, #tpu.memory_space<vmem>>, vector<16xf32>,
    %swap3A_100 = arith.constant 12 : i32
    %swap3A_101 = arith.index_cast %swap3A_100 : i32 to index
    %swap3A_102 = arith.constant 0 : index
    %swap3A_103 = tpu.vector_load %arg6[%swap3A_101, %swap3A_102] {strides = array<i32>} : memref<16x16xf32, #tpu.memory_space<vmem>>, vector<16xf32>,
    tpu.vector_store %arg6[%swap3A_101, %swap3A_102], %broadcast_in_dim3A_0 {strides = array<i32>} : memref<16x16xf32, #tpu.memory_space<vmem>>, vector<16xf32>,
    %swap3A_104 = arith.constant 13 : i32
    %swap3A_105 = arith.index_cast %swap3A_104 : i32 to index
    %swap3A_106 = arith.constant 0 : index
    %swap3A_107 = tpu.vector_load %arg5[%swap3A_105, %swap3A_106] {strides = array<i32>} : memref<16x16xf32, #tpu.memory_space<vmem>>, vector<16xf32>,
    tpu.vector_store %arg5[%swap3A_105, %swap3A_106], %broadcast_in_dim3A_0 {strides = array<i32>} : memref<16x16xf32, #tpu.memory_space<vmem>>, vector<16xf32>,
    %swap3A_108 = arith.constant 13 : i32
    %swap3A_109 = arith.index_cast %swap3A_108 : i32 to index
    %swap3A_110 = arith.constant 0 : index
    %swap3A_111 = tpu.vector_load %arg6[%swap3A_109, %swap3A_110] {strides = array<i32>} : memref<16x16xf32, #tpu.memory_space<vmem>>, vector<16xf32>,
    tpu.vector_store %arg6[%swap3A_109, %swap3A_110], %broadcast_in_dim3A_0 {strides = array<i32>} : memref<16x16xf32, #tpu.memory_space<vmem>>, vector<16xf32>,
    %swap3A_112 = arith.constant 14 : i32
    %swap3A_113 = arith.index_cast %swap3A_112 : i32 to index
    %swap3A_114 = arith.constant 0 : index
    %swap3A_115 = tpu.vector_load %arg5[%swap3A_113, %swap3A_114] {strides = array<i32>} : memref<16x16xf32, #tpu.memory_space<vmem>>, vector<16xf32>,
    tpu.vector_store %arg5[%swap3A_113, %swap3A_114], %broadcast_in_dim3A_0 {strides = array<i32>} : memref<16x16xf32, #tpu.memory_space<vmem>>, vector<16xf32>,
    %swap3A_116 = arith.constant 14 : i32
    %swap3A_117 = arith.index_cast %swap3A_116 : i32 to index
    %swap3A_118 = arith.constant 0 : index
    %swap3A_119 = tpu.vector_load %arg6[%swap3A_117, %swap3A_118] {strides = array<i32>} : memref<16x16xf32, #tpu.memory_space<vmem>>, vector<16xf32>,
    tpu.vector_store %arg6[%swap3A_117, %swap3A_118], %broadcast_in_dim3A_0 {strides = array<i32>} : memref<16x16xf32, #tpu.memory_space<vmem>>, vector<16xf32>,
    %swap3A_120 = arith.constant 15 : i32
    %swap3A_121 = arith.index_cast %swap3A_120 : i32 to index
    %swap3A_122 = arith.constant 0 : index
    %swap3A_123 = tpu.vector_load %arg5[%swap3A_121, %swap3A_122] {strides = array<i32>} : memref<16x16xf32, #tpu.memory_space<vmem>>, vector<16xf32>,
    tpu.vector_store %arg5[%swap3A_121, %swap3A_122], %broadcast_in_dim3A_0 {strides = array<i32>} : memref<16x16xf32, #tpu.memory_space<vmem>>, vector<16xf32>,
    %swap3A_124 = arith.constant 15 : i32
    %swap3A_125 = arith.index_cast %swap3A_124 : i32 to index
    %swap3A_126 = arith.constant 0 : index
    %swap3A_127 = tpu.vector_load %arg6[%swap3A_125, %swap3A_126] {strides = array<i32>} : memref<16x16xf32, #tpu.memory_space<vmem>>, vector<16xf32>,
    tpu.vector_store %arg6[%swap3A_125, %swap3A_126], %broadcast_in_dim3A_0 {strides = array<i32>} : memref<16x16xf32, #tpu.memory_space<vmem>>, vector<16xf32>,
    %iota3A = tpu.iota {dimensions = array<i32: 0>} : vector<16xi32>
    %broadcast_in_dim3A_128 = arith.constant 1.000000e+00 : f32
    %broadcast_in_dim3A_129 = vector.broadcast %broadcast_in_dim3A_128 : f32 to vector<16xf32>
    %mul3A = arith.constant 1 : i32
    %mul3A_130 = arith.muli %arg1, %mul3A : i32
    %add3A = arith.constant 0 : i32
    %add3A_131 = arith.addi %add3A, %mul3A_130 : i32
    %mul3A_132 = arith.constant 16 : i32
    %mul3A_133 = arith.muli %arg0, %mul3A_132 : i32
    %add3A_134 = arith.addi %add3A_131, %mul3A_133 : i32
    %mul3A_135 = arith.constant 20 : i32
    %mul3A_136 = arith.muli %add3A_134, %mul3A_135 : i32
    "tpu.region"() ({
      %run_scoped3A_141 = memref.alloca() : memref<32768xf32, #tpu.memory_space<vmem>>
      %run_scoped3A_142 = tpu.sem_alloc : memref<2x!tpu.dma_semaphore, #tpu.memory_space<semaphore_mem>>
      %run_scoped3A_143 = memref.alloca() : memref<32768xf32, #tpu.memory_space<vmem>>
      %run_scoped3A_144 = tpu.sem_alloc : memref<2x!tpu.dma_semaphore, #tpu.memory_space<semaphore_mem>>
      %add3A_145 = arith.constant 0 : i32
      %add3A_146 = arith.addi %add3A_145, %mul3A_136 : i32
      %select_n3A = arith.constant true
      %select_n3A_147 = arith.constant 0 : i32
      %select_n3A_148 = arith.constant -1 : i32
      %select_n3A_149 = arith.select %select_n3A, %select_n3A_148, %select_n3A_147 : i32
      %eq3A = arith.constant -1 : i32
      %eq3A_150 = arith.cmpi eq, %select_n3A_149, %eq3A : i32
      %select_n3A_151 = arith.constant 19 : i32
      %select_n3A_152 = arith.select %eq3A_150, %select_n3A_151, %select_n3A_149 : i32
      %add3A_153 = arith.addi %select_n3A_152, %mul3A_136 : i32
      %select_n3A_154 = arith.constant true
      %select_n3A_155 = arith.constant 0 : i32
      %select_n3A_156 = arith.constant 1 : i32
      %select_n3A_157 = arith.select %select_n3A_154, %select_n3A_156, %select_n3A_155 : i32
      %eq3A_158 = arith.constant 20 : i32
      %eq3A_159 = arith.cmpi eq, %select_n3A_157, %eq3A_158 : i32
      %select_n3A_160 = arith.constant 0 : i32
      %select_n3A_161 = arith.select %eq3A_159, %select_n3A_160, %select_n3A_157 : i32
      %add3A_162 = arith.addi %select_n3A_161, %mul3A_136 : i32
      %add3A_163 = arith.constant 1 : i32
      %add3A_164 = arith.addi %select_n3A_161, %add3A_163 : i32
      %select_n3A_165 = arith.constant true
      %select_n3A_166 = arith.select %select_n3A_165, %add3A_164, %select_n3A_161 : i32
      %eq3A_167 = arith.constant 20 : i32
      %eq3A_168 = arith.cmpi eq, %select_n3A_166, %eq3A_167 : i32
      %select_n3A_169 = arith.constant 0 : i32
      %select_n3A_170 = arith.select %eq3A_168, %select_n3A_169, %select_n3A_166 : i32
      %add3A_171 = arith.addi %select_n3A_170, %mul3A_136 : i32
      "tpu.trace_start"() <{level = 10 : i32, message = "ep_initialize_0"}> : () -> ()
      %rem3A = arith.constant 0 : i32
      %rem3A_172 = arith.constant 2 : i32
      %rem3A_173 = arith.remui %rem3A, %rem3A_172 : i32
      %add3A_174 = arith.constant 384 : i32
      %add3A_175 = arith.addi %add3A_146, %add3A_174 : i32
      %mul3A_176 = arith.constant 16384 : i32
      %mul3A_177 = arith.muli %mul3A_176, %add3A_175 : i32
      %mul3A_178 = arith.constant 16384 : i32
      %mul3A_179 = arith.muli %rem3A_173, %mul3A_178 : i32
      %add3A_180 = arith.constant 0 : i32
      %add3A_181 = arith.addi %mul3A_179, %add3A_180 : i32
      %dma_start3A = tpu.memref_slice %run_scoped3A_141[%add3A_181] : memref<32768xf32, #tpu.memory_space<vmem>> -> memref<16384xf32, #tpu.memory_space<vmem>>
      %dma_start3A_182 = tpu.memref_slice %arg2[%mul3A_177] : memref<16777216xf32, #tpu.memory_space<hbm>> -> memref<16384xf32, #tpu.memory_space<hbm>>
      %dma_start3A_183 = tpu.memref_slice %run_scoped3A_142[%rem3A_173] : memref<2x!tpu.dma_semaphore, #tpu.memory_space<semaphore_mem>> -> memref<1x!tpu.dma_semaphore, #tpu.memory_space<semaphore_mem>>
      %dma_start3A_184 = tpu.memref_squeeze %dma_start3A_183 : memref<1x!tpu.dma_semaphore, #tpu.memory_space<semaphore_mem>> -> memref<!tpu.dma_semaphore, #tpu.memory_space<semaphore_mem>>
      %dma_start3A_185 = tpu.memref_slice %run_scoped3A_141[%add3A_181] : memref<32768xf32, #tpu.memory_space<vmem>> -> memref<16384xf32, #tpu.memory_space<vmem>>
      %dma_start3A_186 = tpu.memref_slice %arg2[%mul3A_177] : memref<16777216xf32, #tpu.memory_space<hbm>> -> memref<16384xf32, #tpu.memory_space<hbm>>
      tpu.enqueue_dma source(%dma_start3A_186 : memref<16384xf32, #tpu.memory_space<hbm>>) target(%dma_start3A_185 : memref<16384xf32, #tpu.memory_space<vmem>>) target_semaphore(%dma_start3A_184 : memref<!tpu.dma_semaphore, #tpu.memory_space<semaphore_mem>>)
      %add3A_187 = arith.constant 0 : i32
      %add3A_188 = arith.constant 1 : i32
      %add3A_189 = arith.addi %add3A_187, %add3A_188 : i32
      %select_n3A_190 = arith.constant true
      %select_n3A_191 = arith.constant 0 : i32
      %select_n3A_192 = arith.select %select_n3A_190, %add3A_189, %select_n3A_191 : i32
      %rem3A_193 = arith.constant 0 : i32
      %rem3A_194 = arith.constant 2 : i32
      %rem3A_195 = arith.remui %rem3A_193, %rem3A_194 : i32
      %add3A_196 = arith.constant 384 : i32
      %add3A_197 = arith.addi %add3A_146, %add3A_196 : i32
      %mul3A_198 = arith.constant 16384 : i32
      %mul3A_199 = arith.muli %mul3A_198, %add3A_197 : i32
      %mul3A_200 = arith.constant 16384 : i32
      %mul3A_201 = arith.muli %rem3A_195, %mul3A_200 : i32
      %add3A_202 = arith.constant 0 : i32
      %add3A_203 = arith.addi %mul3A_201, %add3A_202 : i32
      %dma_start3A_204 = tpu.memref_slice %run_scoped3A_143[%add3A_203] : memref<32768xf32, #tpu.memory_space<vmem>> -> memref<16384xf32, #tpu.memory_space<vmem>>
      %dma_start3A_205 = tpu.memref_slice %arg3[%mul3A_199] : memref<16777216xf32, #tpu.memory_space<hbm>> -> memref<16384xf32, #tpu.memory_space<hbm>>
      %dma_start3A_206 = tpu.memref_slice %run_scoped3A_144[%rem3A_195] : memref<2x!tpu.dma_semaphore, #tpu.memory_space<semaphore_mem>> -> memref<1x!tpu.dma_semaphore, #tpu.memory_space<semaphore_mem>>
      %dma_start3A_207 = tpu.memref_squeeze %dma_start3A_206 : memref<1x!tpu.dma_semaphore, #tpu.memory_space<semaphore_mem>> -> memref<!tpu.dma_semaphore, #tpu.memory_space<semaphore_mem>>
      %dma_start3A_208 = tpu.memref_slice %run_scoped3A_143[%add3A_203] : memref<32768xf32, #tpu.memory_space<vmem>> -> memref<16384xf32, #tpu.memory_space<vmem>>
      %dma_start3A_209 = tpu.memref_slice %arg3[%mul3A_199] : memref<16777216xf32, #tpu.memory_space<hbm>> -> memref<16384xf32, #tpu.memory_space<hbm>>
      tpu.enqueue_dma source(%dma_start3A_209 : memref<16384xf32, #tpu.memory_space<hbm>>) target(%dma_start3A_208 : memref<16384xf32, #tpu.memory_space<vmem>>) target_semaphore(%dma_start3A_207 : memref<!tpu.dma_semaphore, #tpu.memory_space<semaphore_mem>>)
      %add3A_210 = arith.constant 0 : i32
      %add3A_211 = arith.constant 1 : i32
      %add3A_212 = arith.addi %add3A_210, %add3A_211 : i32
      %select_n3A_213 = arith.constant true
      %select_n3A_214 = arith.constant 0 : i32
      %select_n3A_215 = arith.select %select_n3A_213, %add3A_212, %select_n3A_214 : i32
      "tpu.trace_stop"() : () -> ()
      %scan3A = arith.constant 0 : i32
      %scan3A_216 = arith.constant 0 : i32
      %scan3A_217 = arith.constant 0 : i32
      %scan3A_218 = arith.constant 0 : i32
      %scan3A_219 = arith.constant 20 : i32
      %scan3A_220 = arith.addi %scan3A_218, %scan3A_219 : i32
      %scan3A_221 = arith.constant 1 : i32
      %scan3A_222:5 = scf.for %scan3A_259 = %scan3A_218 to %scan3A_220 step %scan3A_221 iter_args(%scan3A_260 = %select_n3A_192, %scan3A_261 = %scan3A, %scan3A_262 = %select_n3A_215, %scan3A_263 = %scan3A_216, %scan3A_264 = %scan3A_217) -> (i32, i32, i32, i32, i32)  : i32 {
        %eq3A_265 = arith.constant 0 : i32
        %eq3A_266 = arith.cmpi eq, %scan3A_259, %eq3A_265 : i32
        %eq3A_267 = arith.constant 19 : i32
        %eq3A_268 = arith.cmpi eq, %scan3A_259, %eq3A_267 : i32
        %add3A_269 = arith.addi %scan3A_264, %mul3A_136 : i32
        %sub3A_270 = arith.constant 1 : i32
        %sub3A_271 = arith.subi %scan3A_264, %sub3A_270 : i32
        %select_n3A_272 = arith.constant true
        %select_n3A_273 = arith.select %select_n3A_272, %sub3A_271, %scan3A_264 : i32
        %eq3A_274 = arith.constant -1 : i32
        %eq3A_275 = arith.cmpi eq, %select_n3A_273, %eq3A_274 : i32
        %select_n3A_276 = arith.constant 19 : i32
        %select_n3A_277 = arith.select %eq3A_275, %select_n3A_276, %select_n3A_273 : i32
        %add3A_278 = arith.addi %select_n3A_277, %mul3A_136 : i32
        %add3A_279 = arith.constant 1 : i32
        %add3A_280 = arith.addi %scan3A_264, %add3A_279 : i32
        %select_n3A_281 = arith.constant true
        %select_n3A_282 = arith.select %select_n3A_281, %add3A_280, %scan3A_264 : i32
        %eq3A_283 = arith.constant 20 : i32
        %eq3A_284 = arith.cmpi eq, %select_n3A_282, %eq3A_283 : i32
        %select_n3A_285 = arith.constant 0 : i32
        %select_n3A_286 = arith.select %eq3A_284, %select_n3A_285, %select_n3A_282 : i32
        %add3A_287 = arith.addi %select_n3A_286, %mul3A_136 : i32
        %add3A_288 = arith.constant 1 : i32
        %add3A_289 = arith.addi %select_n3A_286, %add3A_288 : i32
        %select_n3A_290 = arith.constant true
        %select_n3A_291 = arith.select %select_n3A_290, %add3A_289, %select_n3A_286 : i32
        %eq3A_292 = arith.constant 20 : i32
        %eq3A_293 = arith.cmpi eq, %select_n3A_291, %eq3A_292 : i32
        %select_n3A_294 = arith.constant 0 : i32
        %select_n3A_295 = arith.select %eq3A_293, %select_n3A_294, %select_n3A_291 : i32
        %add3A_296 = arith.addi %select_n3A_295, %mul3A_136 : i32
        %add3A_297 = arith.constant 384 : i32
        %add3A_298 = arith.addi %add3A_269, %add3A_297 : i32
        %add3A_299 = arith.constant 384 : i32
        %add3A_300 = arith.addi %add3A_287, %add3A_299 : i32
        %ne3A = arith.cmpi ne, %add3A_298, %add3A_300 : i32
        %or3A = arith.constant false
        %or3A_301 = arith.ori %or3A, %ne3A : i1
        %ge3A = arith.constant 19 : i32
        %ge3A_302 = arith.cmpi sge, %scan3A_259, %ge3A : i32
        %not3A = arith.constant true
        %not3A_303 = arith.xori %ge3A_302, %not3A : i1
        %and3A = arith.andi %or3A_301, %not3A_303 : i1
        %convert_element_type3A = arith.extui %and3A : i1 to i32
        %cond3A = arith.constant 0 : i32
        %cond3A_304 = arith.cmpi ne, %convert_element_type3A, %cond3A : i32
        scf.if %cond3A_304 {
          "tpu.trace_start"() <{level = 10 : i32, message = "ep_copy_in"}> : () -> ()
          %rem3A_448 = arith.constant 2 : i32
          %rem3A_449 = arith.remui %scan3A_260, %rem3A_448 : i32
          %add3A_450 = arith.constant 384 : i32
          %add3A_451 = arith.addi %add3A_287, %add3A_450 : i32
          %mul3A_452 = arith.constant 16384 : i32
          %mul3A_453 = arith.muli %mul3A_452, %add3A_451 : i32
          %mul3A_454 = arith.constant 16384 : i32
          %mul3A_455 = arith.muli %rem3A_449, %mul3A_454 : i32
          %add3A_456 = arith.constant 0 : i32
          %add3A_457 = arith.addi %mul3A_455, %add3A_456 : i32
          %dma_start3A_458 = tpu.memref_slice %run_scoped3A_141[%add3A_457] : memref<32768xf32, #tpu.memory_space<vmem>> -> memref<16384xf32, #tpu.memory_space<vmem>>
          %dma_start3A_459 = tpu.memref_slice %arg2[%mul3A_453] : memref<16777216xf32, #tpu.memory_space<hbm>> -> memref<16384xf32, #tpu.memory_space<hbm>>
          %dma_start3A_460 = tpu.memref_slice %run_scoped3A_142[%rem3A_449] : memref<2x!tpu.dma_semaphore, #tpu.memory_space<semaphore_mem>> -> memref<1x!tpu.dma_semaphore, #tpu.memory_space<semaphore_mem>>
          %dma_start3A_461 = tpu.memref_squeeze %dma_start3A_460 : memref<1x!tpu.dma_semaphore, #tpu.memory_space<semaphore_mem>> -> memref<!tpu.dma_semaphore, #tpu.memory_space<semaphore_mem>>
          %dma_start3A_462 = tpu.memref_slice %run_scoped3A_141[%add3A_457] : memref<32768xf32, #tpu.memory_space<vmem>> -> memref<16384xf32, #tpu.memory_space<vmem>>
          %dma_start3A_463 = tpu.memref_slice %arg2[%mul3A_453] : memref<16777216xf32, #tpu.memory_space<hbm>> -> memref<16384xf32, #tpu.memory_space<hbm>>
          tpu.enqueue_dma source(%dma_start3A_463 : memref<16384xf32, #tpu.memory_space<hbm>>) target(%dma_start3A_462 : memref<16384xf32, #tpu.memory_space<vmem>>) target_semaphore(%dma_start3A_461 : memref<!tpu.dma_semaphore, #tpu.memory_space<semaphore_mem>>)
          "tpu.trace_stop"() : () -> ()
        } else {
        }
        %and3A_305 = arith.constant true
        %and3A_306 = arith.andi %and3A, %and3A_305 : i1
        %add3A_307 = arith.constant 1 : i32
        %add3A_308 = arith.addi %scan3A_260, %add3A_307 : i32
        %select_n3A_309 = arith.select %and3A_306, %add3A_308, %scan3A_260 : i32
        %add3A_310 = arith.constant 384 : i32
        %add3A_311 = arith.addi %add3A_269, %add3A_310 : i32
        %add3A_312 = arith.constant 384 : i32
        %add3A_313 = arith.addi %add3A_287, %add3A_312 : i32
        %ne3A_314 = arith.cmpi ne, %add3A_311, %add3A_313 : i32
        %or3A_315 = arith.constant false
        %or3A_316 = arith.ori %or3A_315, %ne3A_314 : i1
        %ge3A_317 = arith.constant 19 : i32
        %ge3A_318 = arith.cmpi sge, %scan3A_259, %ge3A_317 : i32
        %not3A_319 = arith.constant true
        %not3A_320 = arith.xori %ge3A_318, %not3A_319 : i1
        %and3A_321 = arith.andi %or3A_316, %not3A_320 : i1
        %convert_element_type3A_322 = arith.extui %and3A_321 : i1 to i32
        %cond3A_323 = arith.constant 0 : i32
        %cond3A_324 = arith.cmpi ne, %convert_element_type3A_322, %cond3A_323 : i32
        scf.if %cond3A_324 {
          "tpu.trace_start"() <{level = 10 : i32, message = "ep_copy_in"}> : () -> ()
          %rem3A_448 = arith.constant 2 : i32
          %rem3A_449 = arith.remui %scan3A_262, %rem3A_448 : i32
          %add3A_450 = arith.constant 384 : i32
          %add3A_451 = arith.addi %add3A_287, %add3A_450 : i32
          %mul3A_452 = arith.constant 16384 : i32
          %mul3A_453 = arith.muli %mul3A_452, %add3A_451 : i32
          %mul3A_454 = arith.constant 16384 : i32
          %mul3A_455 = arith.muli %rem3A_449, %mul3A_454 : i32
          %add3A_456 = arith.constant 0 : i32
          %add3A_457 = arith.addi %mul3A_455, %add3A_456 : i32
          %dma_start3A_458 = tpu.memref_slice %run_scoped3A_143[%add3A_457] : memref<32768xf32, #tpu.memory_space<vmem>> -> memref<16384xf32, #tpu.memory_space<vmem>>
          %dma_start3A_459 = tpu.memref_slice %arg3[%mul3A_453] : memref<16777216xf32, #tpu.memory_space<hbm>> -> memref<16384xf32, #tpu.memory_space<hbm>>
          %dma_start3A_460 = tpu.memref_slice %run_scoped3A_144[%rem3A_449] : memref<2x!tpu.dma_semaphore, #tpu.memory_space<semaphore_mem>> -> memref<1x!tpu.dma_semaphore, #tpu.memory_space<semaphore_mem>>
          %dma_start3A_461 = tpu.memref_squeeze %dma_start3A_460 : memref<1x!tpu.dma_semaphore, #tpu.memory_space<semaphore_mem>> -> memref<!tpu.dma_semaphore, #tpu.memory_space<semaphore_mem>>
          %dma_start3A_462 = tpu.memref_slice %run_scoped3A_143[%add3A_457] : memref<32768xf32, #tpu.memory_space<vmem>> -> memref<16384xf32, #tpu.memory_space<vmem>>
          %dma_start3A_463 = tpu.memref_slice %arg3[%mul3A_453] : memref<16777216xf32, #tpu.memory_space<hbm>> -> memref<16384xf32, #tpu.memory_space<hbm>>
          tpu.enqueue_dma source(%dma_start3A_463 : memref<16384xf32, #tpu.memory_space<hbm>>) target(%dma_start3A_462 : memref<16384xf32, #tpu.memory_space<vmem>>) target_semaphore(%dma_start3A_461 : memref<!tpu.dma_semaphore, #tpu.memory_space<semaphore_mem>>)
          "tpu.trace_stop"() : () -> ()
        } else {
        }
        %and3A_325 = arith.constant true
        %and3A_326 = arith.andi %and3A_321, %and3A_325 : i1
        %add3A_327 = arith.constant 1 : i32
        %add3A_328 = arith.addi %scan3A_262, %add3A_327 : i32
        %select_n3A_329 = arith.select %and3A_326, %add3A_328, %scan3A_262 : i32
        %add3A_330 = arith.constant 384 : i32
        %add3A_331 = arith.addi %add3A_269, %add3A_330 : i32
        %add3A_332 = arith.constant 384 : i32
        %add3A_333 = arith.addi %add3A_278, %add3A_332 : i32
        %ne3A_334 = arith.cmpi ne, %add3A_331, %add3A_333 : i32
        %or3A_335 = arith.constant false
        %or3A_336 = arith.ori %or3A_335, %ne3A_334 : i1
        %or3A_337 = arith.ori %or3A_336, %eq3A_266 : i1
        %convert_element_type3A_338 = arith.extui %or3A_337 : i1 to i32
        %cond3A_339 = arith.constant 0 : i32
        %cond3A_340 = arith.cmpi ne, %convert_element_type3A_338, %cond3A_339 : i32
        scf.if %cond3A_340 {
          "tpu.trace_start"() <{level = 10 : i32, message = "ep_wait_in"}> : () -> ()
          %add3A_448 = arith.constant 384 : i32
          %add3A_449 = arith.addi %add3A_269, %add3A_448 : i32
          %mul3A_450 = arith.constant 16384 : i32
          %mul3A_451 = arith.muli %mul3A_450, %add3A_449 : i32
          %rem3A_452 = arith.constant 2 : i32
          %rem3A_453 = arith.remui %scan3A_261, %rem3A_452 : i32
          %mul3A_454 = arith.constant 16384 : i32
          %mul3A_455 = arith.muli %rem3A_453, %mul3A_454 : i32
          %add3A_456 = arith.constant 0 : i32
          %add3A_457 = arith.addi %mul3A_455, %add3A_456 : i32
          %dma_wait3A = tpu.memref_slice %run_scoped3A_141[%add3A_457] : memref<32768xf32, #tpu.memory_space<vmem>> -> memref<16384xf32, #tpu.memory_space<vmem>>
          %dma_wait3A_458 = tpu.memref_slice %arg2[%mul3A_451] : memref<16777216xf32, #tpu.memory_space<hbm>> -> memref<16384xf32, #tpu.memory_space<hbm>>
          %dma_wait3A_459 = tpu.memref_slice %run_scoped3A_142[%rem3A_453] : memref<2x!tpu.dma_semaphore, #tpu.memory_space<semaphore_mem>> -> memref<1x!tpu.dma_semaphore, #tpu.memory_space<semaphore_mem>>
          %dma_wait3A_460 = tpu.memref_squeeze %dma_wait3A_459 : memref<1x!tpu.dma_semaphore, #tpu.memory_space<semaphore_mem>> -> memref<!tpu.dma_semaphore, #tpu.memory_space<semaphore_mem>>
          %dma_wait3A_461 = tpu.memref_slice %run_scoped3A_141[%add3A_457] : memref<32768xf32, #tpu.memory_space<vmem>> -> memref<16384xf32, #tpu.memory_space<vmem>>
          %dma_wait3A_462 = tpu.memref_slice %arg2[%mul3A_451] : memref<16777216xf32, #tpu.memory_space<hbm>> -> memref<16384xf32, #tpu.memory_space<hbm>>
          tpu.wait_dma2 semaphore(%dma_wait3A_460 : memref<!tpu.dma_semaphore, #tpu.memory_space<semaphore_mem>>) src(%dma_wait3A_462 : memref<16384xf32, #tpu.memory_space<hbm>>) dst(%dma_wait3A_461 : memref<16384xf32, #tpu.memory_space<vmem>>)
          "tpu.trace_stop"() : () -> ()
        } else {
        }
        %add3A_341 = arith.constant 384 : i32
        %add3A_342 = arith.addi %add3A_269, %add3A_341 : i32
        %add3A_343 = arith.constant 384 : i32
        %add3A_344 = arith.addi %add3A_278, %add3A_343 : i32
        %ne3A_345 = arith.cmpi ne, %add3A_342, %add3A_344 : i32
        %or3A_346 = arith.constant false
        %or3A_347 = arith.ori %or3A_346, %ne3A_345 : i1
        %or3A_348 = arith.ori %or3A_347, %eq3A_266 : i1
        %convert_element_type3A_349 = arith.extui %or3A_348 : i1 to i32
        %cond3A_350 = arith.constant 0 : i32
        %cond3A_351 = arith.cmpi ne, %convert_element_type3A_349, %cond3A_350 : i32
        scf.if %cond3A_351 {
          "tpu.trace_start"() <{level = 10 : i32, message = "ep_wait_in"}> : () -> ()
          %add3A_448 = arith.constant 384 : i32
          %add3A_449 = arith.addi %add3A_269, %add3A_448 : i32
          %mul3A_450 = arith.constant 16384 : i32
          %mul3A_451 = arith.muli %mul3A_450, %add3A_449 : i32
          %rem3A_452 = arith.constant 2 : i32
          %rem3A_453 = arith.remui %scan3A_263, %rem3A_452 : i32
          %mul3A_454 = arith.constant 16384 : i32
          %mul3A_455 = arith.muli %rem3A_453, %mul3A_454 : i32
          %add3A_456 = arith.constant 0 : i32
          %add3A_457 = arith.addi %mul3A_455, %add3A_456 : i32
          %dma_wait3A = tpu.memref_slice %run_scoped3A_143[%add3A_457] : memref<32768xf32, #tpu.memory_space<vmem>> -> memref<16384xf32, #tpu.memory_space<vmem>>
          %dma_wait3A_458 = tpu.memref_slice %arg3[%mul3A_451] : memref<16777216xf32, #tpu.memory_space<hbm>> -> memref<16384xf32, #tpu.memory_space<hbm>>
          %dma_wait3A_459 = tpu.memref_slice %run_scoped3A_144[%rem3A_453] : memref<2x!tpu.dma_semaphore, #tpu.memory_space<semaphore_mem>> -> memref<1x!tpu.dma_semaphore, #tpu.memory_space<semaphore_mem>>
          %dma_wait3A_460 = tpu.memref_squeeze %dma_wait3A_459 : memref<1x!tpu.dma_semaphore, #tpu.memory_space<semaphore_mem>> -> memref<!tpu.dma_semaphore, #tpu.memory_space<semaphore_mem>>
          %dma_wait3A_461 = tpu.memref_slice %run_scoped3A_143[%add3A_457] : memref<32768xf32, #tpu.memory_space<vmem>> -> memref<16384xf32, #tpu.memory_space<vmem>>
          %dma_wait3A_462 = tpu.memref_slice %arg3[%mul3A_451] : memref<16777216xf32, #tpu.memory_space<hbm>> -> memref<16384xf32, #tpu.memory_space<hbm>>
          tpu.wait_dma2 semaphore(%dma_wait3A_460 : memref<!tpu.dma_semaphore, #tpu.memory_space<semaphore_mem>>) src(%dma_wait3A_462 : memref<16384xf32, #tpu.memory_space<hbm>>) dst(%dma_wait3A_461 : memref<16384xf32, #tpu.memory_space<vmem>>)
          "tpu.trace_stop"() : () -> ()
        } else {
        }
        %rem3A_352 = arith.constant 2 : i32
        %rem3A_353 = arith.remui %scan3A_261, %rem3A_352 : i32
        %mul3A_354 = arith.constant 16384 : i32
        %mul3A_355 = arith.muli %rem3A_353, %mul3A_354 : i32
        %rem3A_356 = arith.constant 2 : i32
        %rem3A_357 = arith.remui %scan3A_263, %rem3A_356 : i32
        %mul3A_358 = arith.constant 16384 : i32
        %mul3A_359 = arith.muli %rem3A_357, %mul3A_358 : i32
        %parallel_loop3A = arith.constant 0 : i32
        %parallel_loop3A_360 = arith.constant 16384 : i32
        %parallel_loop3A_361 = arith.constant 16 : i32
        "tpu.trace_start"() <{level = 10 : i32, message = "ep_run_kernel"}> : () -> ()
        scf.for %parallel_loop3A_448 = %parallel_loop3A to %parallel_loop3A_360 step %parallel_loop3A_361  : i32 {
          %parallel_loop3A_449 = tpu.memref_slice %run_scoped3A_141[%mul3A_355] : memref<32768xf32, #tpu.memory_space<vmem>> -> memref<16384xf32, #tpu.memory_space<vmem>>
          %parallel_loop3A_450 = arith.index_cast %parallel_loop3A_448 : i32 to index
          %parallel_loop3A_451 = tpu.vector_load %parallel_loop3A_449[%parallel_loop3A_450] {strides = array<i32>} : memref<16384xf32, #tpu.memory_space<vmem>>, vector<16xf32>,
          %parallel_loop3A_452 = tpu.memref_slice %run_scoped3A_143[%mul3A_359] : memref<32768xf32, #tpu.memory_space<vmem>> -> memref<16384xf32, #tpu.memory_space<vmem>>
          %parallel_loop3A_453 = arith.index_cast %parallel_loop3A_448 : i32 to index
          %parallel_loop3A_454 = tpu.vector_load %parallel_loop3A_452[%parallel_loop3A_453] {strides = array<i32>} : memref<16384xf32, #tpu.memory_space<vmem>>, vector<16xf32>,
          %parallel_loop3A_455 = arith.constant 1.500000e+01 : f32
          %parallel_loop3A_456 = vector.broadcast %parallel_loop3A_455 : f32 to vector<16xf32>
          %parallel_loop3A_457 = arith.mulf %parallel_loop3A_451, %parallel_loop3A_456 : vector<16xf32>
          %parallel_loop3A_458 = arith.fptosi %parallel_loop3A_457 : vector<16xf32> to vector<16xi32>
          %parallel_loop3A_459 = arith.constant 0 : i32
          %parallel_loop3A_460 = arith.constant 15 : i32
          %parallel_loop3A_461 = vector.broadcast %parallel_loop3A_459 : i32 to vector<16xi32>
          %parallel_loop3A_462 = arith.maxsi %parallel_loop3A_461, %parallel_loop3A_458 : vector<16xi32>
          %parallel_loop3A_463 = vector.broadcast %parallel_loop3A_460 : i32 to vector<16xi32>
          %parallel_loop3A_464 = arith.minsi %parallel_loop3A_463, %parallel_loop3A_462 : vector<16xi32>
          tpu.vector_store_idx %arg5[%parallel_loop3A_464, %iota3A], %broadcast_in_dim3A_129 {add = true} : memref<16x16xf32, #tpu.memory_space<vmem>>[vector<16xi32>, vector<16xi32>], vector<16xf32>,
          %parallel_loop3A_465 = arith.subf %parallel_loop3A_451, %parallel_loop3A_454 : vector<16xf32>
          tpu.vector_store_idx %arg6[%parallel_loop3A_464, %iota3A], %parallel_loop3A_465 {add = true} : memref<16x16xf32, #tpu.memory_space<vmem>>[vector<16xi32>, vector<16xi32>], vector<16xf32>,
        } {sc.loop_unroll_factor = 16 : i64, sc.parallel_access}
        "tpu.trace_stop"() : () -> ()
        %add3A_362 = arith.constant 384 : i32
        %add3A_363 = arith.addi %add3A_269, %add3A_362 : i32
        %add3A_364 = arith.constant 384 : i32
        %add3A_365 = arith.addi %add3A_287, %add3A_364 : i32
        %ne3A_366 = arith.cmpi ne, %add3A_363, %add3A_365 : i32
        %or3A_367 = arith.constant false
        %or3A_368 = arith.ori %or3A_367, %ne3A_366 : i1
        %or3A_369 = arith.ori %or3A_368, %eq3A_268 : i1
        %convert_element_type3A_370 = arith.extui %or3A_369 : i1 to i32
        %cond3A_371 = arith.constant 0 : i32
        %cond3A_372 = arith.cmpi ne, %convert_element_type3A_370, %cond3A_371 : i32
        scf.if %cond3A_372 {
        } else {
        }
        %and3A_373 = arith.constant false
        %and3A_374 = arith.andi %or3A_369, %and3A_373 : i1
        %add3A_375 = arith.constant 384 : i32
        %add3A_376 = arith.addi %add3A_269, %add3A_375 : i32
        %add3A_377 = arith.constant 384 : i32
        %add3A_378 = arith.addi %add3A_287, %add3A_377 : i32
        %ne3A_379 = arith.cmpi ne, %add3A_376, %add3A_378 : i32
        %or3A_380 = arith.constant false
        %or3A_381 = arith.ori %or3A_380, %ne3A_379 : i1
        %or3A_382 = arith.ori %or3A_381, %eq3A_268 : i1
        %convert_element_type3A_383 = arith.extui %or3A_382 : i1 to i32
        %cond3A_384 = arith.constant 0 : i32
        %cond3A_385 = arith.cmpi ne, %convert_element_type3A_383, %cond3A_384 : i32
        scf.if %cond3A_385 {
        } else {
        }
        %and3A_386 = arith.constant false
        %and3A_387 = arith.andi %or3A_382, %and3A_386 : i1
        %add3A_388 = arith.constant 384 : i32
        %add3A_389 = arith.addi %add3A_269, %add3A_388 : i32
        %add3A_390 = arith.constant 384 : i32
        %add3A_391 = arith.addi %add3A_278, %add3A_390 : i32
        %ne3A_392 = arith.cmpi ne, %add3A_389, %add3A_391 : i32
        %or3A_393 = arith.constant false
        %or3A_394 = arith.ori %or3A_393, %ne3A_392 : i1
        %not3A_395 = arith.constant true
        %not3A_396 = arith.xori %eq3A_266, %not3A_395 : i1
        %and3A_397 = arith.andi %or3A_394, %not3A_396 : i1
        %convert_element_type3A_398 = arith.extui %and3A_397 : i1 to i32
        %cond3A_399 = arith.constant 0 : i32
        %cond3A_400 = arith.cmpi ne, %convert_element_type3A_398, %cond3A_399 : i32
        scf.if %cond3A_400 {
        } else {
        }
        %and3A_401 = arith.constant false
        %and3A_402 = arith.andi %and3A_397, %and3A_401 : i1
        %add3A_403 = arith.constant 384 : i32
        %add3A_404 = arith.addi %add3A_269, %add3A_403 : i32
        %add3A_405 = arith.constant 384 : i32
        %add3A_406 = arith.addi %add3A_278, %add3A_405 : i32
        %ne3A_407 = arith.cmpi ne, %add3A_404, %add3A_406 : i32
        %or3A_408 = arith.constant false
        %or3A_409 = arith.ori %or3A_408, %ne3A_407 : i1
        %not3A_410 = arith.constant true
        %not3A_411 = arith.xori %eq3A_266, %not3A_410 : i1
        %and3A_412 = arith.andi %or3A_409, %not3A_411 : i1
        %convert_element_type3A_413 = arith.extui %and3A_412 : i1 to i32
        %cond3A_414 = arith.constant 0 : i32
        %cond3A_415 = arith.cmpi ne, %convert_element_type3A_413, %cond3A_414 : i32
        scf.if %cond3A_415 {
        } else {
        }
        %and3A_416 = arith.constant false
        %and3A_417 = arith.andi %and3A_412, %and3A_416 : i1
        %add3A_418 = arith.constant 384 : i32
        %add3A_419 = arith.addi %add3A_269, %add3A_418 : i32
        %add3A_420 = arith.constant 384 : i32
        %add3A_421 = arith.addi %add3A_287, %add3A_420 : i32
        %ne3A_422 = arith.cmpi ne, %add3A_419, %add3A_421 : i32
        %or3A_423 = arith.constant false
        %or3A_424 = arith.ori %or3A_423, %ne3A_422 : i1
        %or3A_425 = arith.ori %or3A_424, %eq3A_268 : i1
        %add3A_426 = arith.constant 1 : i32
        %add3A_427 = arith.addi %scan3A_261, %add3A_426 : i32
        %select_n3A_428 = arith.select %or3A_425, %add3A_427, %scan3A_261 : i32
        %add3A_429 = arith.constant 384 : i32
        %add3A_430 = arith.addi %add3A_269, %add3A_429 : i32
        %add3A_431 = arith.constant 384 : i32
        %add3A_432 = arith.addi %add3A_287, %add3A_431 : i32
        %ne3A_433 = arith.cmpi ne, %add3A_430, %add3A_432 : i32
        %or3A_434 = arith.constant false
        %or3A_435 = arith.ori %or3A_434, %ne3A_433 : i1
        %or3A_436 = arith.ori %or3A_435, %eq3A_268 : i1
        %add3A_437 = arith.constant 1 : i32
        %add3A_438 = arith.addi %scan3A_263, %add3A_437 : i32
        %select_n3A_439 = arith.select %or3A_436, %add3A_438, %scan3A_263 : i32
        %add3A_440 = arith.constant 1 : i32
        %add3A_441 = arith.addi %scan3A_264, %add3A_440 : i32
        %select_n3A_442 = arith.constant true
        %select_n3A_443 = arith.select %select_n3A_442, %add3A_441, %scan3A_264 : i32
        %eq3A_444 = arith.constant 20 : i32
        %eq3A_445 = arith.cmpi eq, %select_n3A_443, %eq3A_444 : i32
        %select_n3A_446 = arith.constant 0 : i32
        %select_n3A_447 = arith.select %eq3A_445, %select_n3A_446, %select_n3A_443 : i32
        scf.yield %select_n3A_309, %select_n3A_428, %select_n3A_329, %select_n3A_439, %select_n3A_447 : i32, i32, i32, i32, i32
      }
      %scan3A_223 = arith.constant 20 : i32
      %sub3A = arith.constant 1 : i32
      %sub3A_224 = arith.subi %scan3A_222#4, %sub3A : i32
      %select_n3A_225 = arith.constant true
      %select_n3A_226 = arith.select %select_n3A_225, %sub3A_224, %scan3A_222#4 : i32
      %eq3A_227 = arith.constant -1 : i32
      %eq3A_228 = arith.cmpi eq, %select_n3A_226, %eq3A_227 : i32
      %select_n3A_229 = arith.constant 19 : i32
      %select_n3A_230 = arith.select %eq3A_228, %select_n3A_229, %select_n3A_226 : i32
      %add3A_231 = arith.addi %select_n3A_230, %mul3A_136 : i32
      %sub3A_232 = arith.constant 1 : i32
      %sub3A_233 = arith.subi %select_n3A_230, %sub3A_232 : i32
      %select_n3A_234 = arith.constant true
      %select_n3A_235 = arith.select %select_n3A_234, %sub3A_233, %select_n3A_230 : i32
      %eq3A_236 = arith.constant -1 : i32
      %eq3A_237 = arith.cmpi eq, %select_n3A_235, %eq3A_236 : i32
      %select_n3A_238 = arith.constant 19 : i32
      %select_n3A_239 = arith.select %eq3A_237, %select_n3A_238, %select_n3A_235 : i32
      %add3A_240 = arith.addi %select_n3A_239, %mul3A_136 : i32
      %add3A_241 = arith.constant 1 : i32
      %add3A_242 = arith.addi %select_n3A_230, %add3A_241 : i32
      %select_n3A_243 = arith.constant true
      %select_n3A_244 = arith.select %select_n3A_243, %add3A_242, %select_n3A_230 : i32
      %eq3A_245 = arith.constant 20 : i32
      %eq3A_246 = arith.cmpi eq, %select_n3A_244, %eq3A_245 : i32
      %select_n3A_247 = arith.constant 0 : i32
      %select_n3A_248 = arith.select %eq3A_246, %select_n3A_247, %select_n3A_244 : i32
      %add3A_249 = arith.addi %select_n3A_248, %mul3A_136 : i32
      %add3A_250 = arith.constant 1 : i32
      %add3A_251 = arith.addi %select_n3A_248, %add3A_250 : i32
      %select_n3A_252 = arith.constant true
      %select_n3A_253 = arith.select %select_n3A_252, %add3A_251, %select_n3A_248 : i32
      %eq3A_254 = arith.constant 20 : i32
      %eq3A_255 = arith.cmpi eq, %select_n3A_253, %eq3A_254 : i32
      %select_n3A_256 = arith.constant 0 : i32
      %select_n3A_257 = arith.select %eq3A_255, %select_n3A_256, %select_n3A_253 : i32
      %add3A_258 = arith.addi %select_n3A_257, %mul3A_136 : i32
      tpu.yield
    }) : () -> ()
    %mul3A_137 = arith.constant 16 : i32
    %mul3A_138 = arith.muli %arg0, %mul3A_137 : i32
    %add3A_139 = arith.addi %mul3A_138, %arg1 : i32
    %run_scoped3A = arith.constant 0 : i32
    "tpu.region"() ({
      %run_scoped3A_141 = tpu.sem_alloc : memref<!tpu.dma_semaphore, #tpu.memory_space<semaphore_mem>>
      %dma_start3A = arith.constant 0 : i32
      %dma_start3A_142 = arith.constant 0 : i32
      %dma_start3A_143 = tpu.memref_slice %arg4[%run_scoped3A, %add3A_139, %dma_start3A, %dma_start3A_142] : memref<2x32x16x16xf32, #tpu.memory_space<hbm>> -> memref<1x1x16x16xf32, #tpu.memory_space<hbm>>
      %dma_start3A_144 = tpu.memref_squeeze %dma_start3A_143 : memref<1x1x16x16xf32, #tpu.memory_space<hbm>> -> memref<16x16xf32, #tpu.memory_space<hbm>>
      %dma_start3A_145 = arith.constant 0 : i32
      %dma_start3A_146 = arith.constant 0 : i32
      %dma_start3A_147 = tpu.memref_slice %arg4[%run_scoped3A, %add3A_139, %dma_start3A_145, %dma_start3A_146] : memref<2x32x16x16xf32, #tpu.memory_space<hbm>> -> memref<1x1x16x16xf32, #tpu.memory_space<hbm>>
      %dma_start3A_148 = tpu.memref_squeeze %dma_start3A_147 : memref<1x1x16x16xf32, #tpu.memory_space<hbm>> -> memref<16x16xf32, #tpu.memory_space<hbm>>
      tpu.enqueue_dma source(%arg5 : memref<16x16xf32, #tpu.memory_space<vmem>>) target(%dma_start3A_148 : memref<16x16xf32, #tpu.memory_space<hbm>>) target_semaphore(%run_scoped3A_141 : memref<!tpu.dma_semaphore, #tpu.memory_space<semaphore_mem>>)
      %dma_wait3A = arith.constant 0 : i32
      %dma_wait3A_149 = arith.constant 0 : i32
      %dma_wait3A_150 = tpu.memref_slice %arg4[%run_scoped3A, %add3A_139, %dma_wait3A, %dma_wait3A_149] : memref<2x32x16x16xf32, #tpu.memory_space<hbm>> -> memref<1x1x16x16xf32, #tpu.memory_space<hbm>>
      %dma_wait3A_151 = tpu.memref_squeeze %dma_wait3A_150 : memref<1x1x16x16xf32, #tpu.memory_space<hbm>> -> memref<16x16xf32, #tpu.memory_space<hbm>>
      %dma_wait3A_152 = arith.constant 0 : i32
      %dma_wait3A_153 = arith.constant 0 : i32
      %dma_wait3A_154 = tpu.memref_slice %arg4[%run_scoped3A, %add3A_139, %dma_wait3A_152, %dma_wait3A_153] : memref<2x32x16x16xf32, #tpu.memory_space<hbm>> -> memref<1x1x16x16xf32, #tpu.memory_space<hbm>>
      %dma_wait3A_155 = tpu.memref_squeeze %dma_wait3A_154 : memref<1x1x16x16xf32, #tpu.memory_space<hbm>> -> memref<16x16xf32, #tpu.memory_space<hbm>>
      tpu.wait_dma2 semaphore(%run_scoped3A_141 : memref<!tpu.dma_semaphore, #tpu.memory_space<semaphore_mem>>) src(%arg5 : memref<16x16xf32, #tpu.memory_space<vmem>>) dst(%dma_wait3A_155 : memref<16x16xf32, #tpu.memory_space<hbm>>)
      tpu.yield
    }) : () -> ()
    %run_scoped3A_140 = arith.constant 1 : i32
    "tpu.region"() ({
      %run_scoped3A_141 = tpu.sem_alloc : memref<!tpu.dma_semaphore, #tpu.memory_space<semaphore_mem>>
      %dma_start3A = arith.constant 0 : i32
      %dma_start3A_142 = arith.constant 0 : i32
      %dma_start3A_143 = tpu.memref_slice %arg4[%run_scoped3A_140, %add3A_139, %dma_start3A, %dma_start3A_142] : memref<2x32x16x16xf32, #tpu.memory_space<hbm>> -> memref<1x1x16x16xf32, #tpu.memory_space<hbm>>
      %dma_start3A_144 = tpu.memref_squeeze %dma_start3A_143 : memref<1x1x16x16xf32, #tpu.memory_space<hbm>> -> memref<16x16xf32, #tpu.memory_space<hbm>>
      %dma_start3A_145 = arith.constant 0 : i32
      %dma_start3A_146 = arith.constant 0 : i32
      %dma_start3A_147 = tpu.memref_slice %arg4[%run_scoped3A_140, %add3A_139, %dma_start3A_145, %dma_start3A_146] : memref<2x32x16x16xf32, #tpu.memory_space<hbm>> -> memref<1x1x16x16xf32, #tpu.memory_space<hbm>>
      %dma_start3A_148 = tpu.memref_squeeze %dma_start3A_147 : memref<1x1x16x16xf32, #tpu.memory_space<hbm>> -> memref<16x16xf32, #tpu.memory_space<hbm>>
      tpu.enqueue_dma source(%arg6 : memref<16x16xf32, #tpu.memory_space<vmem>>) target(%dma_start3A_148 : memref<16x16xf32, #tpu.memory_space<hbm>>) target_semaphore(%run_scoped3A_141 : memref<!tpu.dma_semaphore, #tpu.memory_space<semaphore_mem>>)
      %dma_wait3A = arith.constant 0 : i32
      %dma_wait3A_149 = arith.constant 0 : i32
      %dma_wait3A_150 = tpu.memref_slice %arg4[%run_scoped3A_140, %add3A_139, %dma_wait3A, %dma_wait3A_149] : memref<2x32x16x16xf32, #tpu.memory_space<hbm>> -> memref<1x1x16x16xf32, #tpu.memory_space<hbm>>
      %dma_wait3A_151 = tpu.memref_squeeze %dma_wait3A_150 : memref<1x1x16x16xf32, #tpu.memory_space<hbm>> -> memref<16x16xf32, #tpu.memory_space<hbm>>
      %dma_wait3A_152 = arith.constant 0 : i32
      %dma_wait3A_153 = arith.constant 0 : i32
      %dma_wait3A_154 = tpu.memref_slice %arg4[%run_scoped3A_140, %add3A_139, %dma_wait3A_152, %dma_wait3A_153] : memref<2x32x16x16xf32, #tpu.memory_space<hbm>> -> memref<1x1x16x16xf32, #tpu.memory_space<hbm>>
      %dma_wait3A_155 = tpu.memref_squeeze %dma_wait3A_154 : memref<1x1x16x16xf32, #tpu.memory_space<hbm>> -> memref<16x16xf32, #tpu.memory_space<hbm>>
      tpu.wait_dma2 semaphore(%run_scoped3A_141 : memref<!tpu.dma_semaphore, #tpu.memory_space<semaphore_mem>>) src(%arg6 : memref<16x16xf32, #tpu.memory_space<vmem>>) dst(%dma_wait3A_155 : memref<16x16xf32, #tpu.memory_space<hbm>>)
      tpu.yield
    }) : () -> ()
    return
  }
}

module attributes {stable_mosaic.version = 14 : i64} {
  func.func @_finish_body(%arg0: memref<2x32x16x16xf32, #tpu.memory_space<vmem>>, %arg1: memref<32x128xf32, #tpu.memory_space<vmem>>, %arg2: memref<1x1xf32, #tpu.memory_space<vmem>>) attributes {dimension_semantics = [], scalar_prefetch = 0 : i64, scratch_operands = 0 : i64, tpu.core_type = #tpu.core_type<tc>} {
    %get3A = arith.constant 0 : index
    %get3A_0 = arith.constant 0 : index
    %get3A_1 = arith.constant 0 : index
    %get3A_2 = arith.constant 0 : index
    %get3A_3 = vector.load %arg0[%get3A, %get3A_0, %get3A_1, %get3A_2] : memref<2x32x16x16xf32, #tpu.memory_space<vmem>>, vector<2x32x16x16xf32>
    %reduce_sum3A = arith.constant dense<0.000000e+00> : vector<2x16xf32>
    %reduce_sum3A_4 = vector.multi_reduction <add>, %get3A_3, %reduce_sum3A [1, 3] : vector<2x32x16x16xf32> to vector<2x16xf32>
    %get3A_5 = arith.constant 0 : index
    %get3A_6 = arith.constant 0 : index
    %get3A_7 = vector.load %arg1[%get3A_5, %get3A_6] : memref<32x128xf32, #tpu.memory_space<vmem>>, vector<32x128xf32>
    %reshape3A = vector.shape_cast %get3A_7 : vector<32x128xf32> to vector<2x16x128xf32>
    %reduce_sum3A_8 = arith.constant dense<0.000000e+00> : vector<2x16xf32>
    %reduce_sum3A_9 = vector.multi_reduction <add>, %reshape3A, %reduce_sum3A_8 [2] : vector<2x16x128xf32> to vector<2x16xf32>
    %add3A = arith.addf %reduce_sum3A_4, %reduce_sum3A_9 : vector<2x16xf32>
    %slice3A = vector.extract_strided_slice %add3A {offsets = [0, 0], sizes = [1, 15], strides = [1, 1]} : vector<2x16xf32> to vector<1x15xf32>
    %slice3A_10 = vector.extract_strided_slice %add3A {offsets = [1, 0], sizes = [1, 15], strides = [1, 1]} : vector<2x16xf32> to vector<1x15xf32>
    %max3A = arith.constant 1.000000e+00 : f32
    %max3A_11 = vector.broadcast %max3A : f32 to vector<1x15xf32>
    %max3A_12 = arith.maximumf %slice3A, %max3A_11 : vector<1x15xf32>
    %div3A = arith.divf %slice3A_10, %max3A_12 : vector<1x15xf32>
    %mul3A = arith.mulf %div3A, %div3A : vector<1x15xf32>
    %div3A_13 = arith.constant 0x4B800000 : f32
    %div3A_14 = vector.broadcast %div3A_13 : f32 to vector<1x15xf32>
    %div3A_15 = arith.divf %slice3A, %div3A_14 : vector<1x15xf32>
    %mul3A_16 = arith.mulf %mul3A, %div3A_15 : vector<1x15xf32>
    %gt3A = arith.constant 0.000000e+00 : f32
    %gt3A_17 = vector.broadcast %gt3A : f32 to vector<1x15xf32>
    %gt3A_18 = arith.cmpf ogt, %slice3A, %gt3A_17 : vector<1x15xf32>
    %jit3A = arith.constant 0.000000e+00 : f32
    %broadcast_in_dim3A = vector.broadcast %jit3A : f32 to vector<1x15xf32>
    %select_n3A = arith.select %gt3A_18, %mul3A_16, %broadcast_in_dim3A : vector<1x15xi1>, vector<1x15xf32>
    %reduce_sum3A_19 = vector.shape_cast %select_n3A : vector<1x15xf32> to vector<1x1x15xf32>
    %reduce_sum3A_20 = arith.constant dense<0.000000e+00> : vector<1xf32>
    %reduce_sum3A_21 = vector.multi_reduction <add>, %reduce_sum3A_19, %reduce_sum3A_20 [1, 2] : vector<1x1x15xf32> to vector<1xf32>
    %reduce_sum3A_22 = vector.shape_cast %reduce_sum3A_21 : vector<1xf32> to vector<1x1x1xf32>
    %reduce_sum3A_23 = vector.extract %reduce_sum3A_22[0, 0, 0] : f32 from vector<1x1x1xf32>
    %broadcast_in_dim3A_24 = vector.broadcast %reduce_sum3A_23 : f32 to vector<1x1xf32>
    %swap3A = arith.constant 0 : index
    %swap3A_25 = arith.constant 0 : index
    %swap3A_26 = vector.load %arg2[%swap3A, %swap3A_25] : memref<1x1xf32, #tpu.memory_space<vmem>>, vector<1x1xf32>
    tpu.vector_store %arg2[%swap3A, %swap3A_25], %broadcast_in_dim3A_24 {strides = array<i32>} : memref<1x1xf32, #tpu.memory_space<vmem>>, vector<1x1xf32>,
    return
  }
}

module attributes {stable_mosaic.version = 14 : i64} {
  func.func @_tc_hist_body(%arg0: i32, %arg1: memref<8192x128xf32, #tpu.memory_space<vmem>>, %arg2: memref<8192x128xf32, #tpu.memory_space<vmem>>, %arg3: memref<32x128xf32, #tpu.memory_space<vmem>>, %arg4: memref<32x128xf32, #tpu.memory_space<vmem>>) attributes {dimension_semantics = [#tpu.dimension_semantics<arbitrary>], iteration_bounds = array<i64: 6>, scalar_prefetch = 0 : i64, scratch_operands = 1 : i64, tpu.core_type = #tpu.core_type<tc>, window_params = [{transform_indices = @transform_0, window_bounds = array<i64: 8192, 128>}, {transform_indices = @transform_1, window_bounds = array<i64: 8192, 128>}, {pipeline_mode = #tpu.pipeline_mode<synchronous>, transform_indices = @transform_2, window_bounds = array<i64: 32, 128>}]} {
    %eq3A = arith.constant 0 : i32
    %eq3A_0 = arith.cmpi eq, %arg0, %eq3A : i32
    %convert_element_type3A = arith.extui %eq3A_0 : i1 to i32
    %cond3A = arith.constant 0 : i32
    %cond3A_1 = arith.cmpi ne, %convert_element_type3A, %cond3A : i32
    scf.if %cond3A_1 {
      %broadcast_in_dim3A = arith.constant 0.000000e+00 : f32
      %broadcast_in_dim3A_464 = vector.broadcast %broadcast_in_dim3A : f32 to vector<32x128xf32>
      %swap3A_465 = arith.constant 0 : index
      %swap3A_466 = arith.constant 0 : index
      %swap3A_467 = vector.load %arg4[%swap3A_465, %swap3A_466] : memref<32x128xf32, #tpu.memory_space<vmem>>, vector<32x128xf32>
      tpu.vector_store %arg4[%swap3A_465, %swap3A_466], %broadcast_in_dim3A_464 {strides = array<i32>} : memref<32x128xf32, #tpu.memory_space<vmem>>, vector<32x128xf32>,
    } else {
    }
    %get3A = arith.constant 0 : index
    %get3A_2 = arith.constant 0 : index
    %get3A_3 = vector.load %arg1[%get3A, %get3A_2] : memref<8192x128xf32, #tpu.memory_space<vmem>>, vector<8192x128xf32>
    %get3A_4 = arith.constant 0 : index
    %get3A_5 = arith.constant 0 : index
    %get3A_6 = vector.load %arg2[%get3A_4, %get3A_5] : memref<8192x128xf32, #tpu.memory_space<vmem>>, vector<8192x128xf32>
    %mul3A = arith.constant 1.500000e+01 : f32
    %mul3A_7 = vector.broadcast %mul3A : f32 to vector<8192x128xf32>
    %mul3A_8 = arith.mulf %get3A_3, %mul3A_7 : vector<8192x128xf32>
    %ceil3A = math.ceil %mul3A_8 : vector<8192x128xf32>
    %sub3A = arith.constant 1.000000e+00 : f32
    %sub3A_9 = vector.broadcast %sub3A : f32 to vector<8192x128xf32>
    %sub3A_10 = arith.subf %ceil3A, %sub3A_9 : vector<8192x128xf32>
    %sub3A_11 = arith.subf %get3A_3, %get3A_6 : vector<8192x128xf32>
    %eq3A_12 = arith.constant 0.000000e+00 : f32
    %eq3A_13 = vector.broadcast %eq3A_12 : f32 to vector<8192x128xf32>
    %eq3A_14 = arith.cmpf oeq, %sub3A_10, %eq3A_13 : vector<8192x128xf32>
    %convert_element_type3A_15 = arith.extui %eq3A_14 : vector<8192x128xi1> to vector<8192x128xi32>
    %convert_element_type3A_16 = arith.sitofp %convert_element_type3A_15 : vector<8192x128xi32> to vector<8192x128xf32>
    %get3A_17 = arith.constant 0 : index
    %get3A_18 = arith.constant 0 : index
    %get3A_19 = vector.load %arg4[%get3A_17, %get3A_18] : memref<32x128xf32, #tpu.memory_space<vmem>>, vector<1x128xf32>
    %get3A_20 = vector.shape_cast %get3A_19 : vector<1x128xf32> to vector<128xf32>
    %reduce_sum3A = arith.constant dense<0.000000e+00> : vector<128xf32>
    %reduce_sum3A_21 = vector.multi_reduction <add>, %convert_element_type3A_16, %reduce_sum3A [0] : vector<8192x128xf32> to vector<128xf32>
    %add3A = arith.addf %get3A_20, %reduce_sum3A_21 : vector<128xf32>
    %swap3A = arith.constant 0 : index
    %swap3A_22 = arith.constant 0 : index
    %swap3A_23 = vector.load %arg4[%swap3A, %swap3A_22] : memref<32x128xf32, #tpu.memory_space<vmem>>, vector<1x128xf32>
    %swap3A_24 = vector.shape_cast %swap3A_23 : vector<1x128xf32> to vector<128xf32>
    %swap3A_25 = vector.shape_cast %add3A : vector<128xf32> to vector<1x128xf32>
    tpu.vector_store %arg4[%swap3A, %swap3A_22], %swap3A_25 {strides = array<i32>} : memref<32x128xf32, #tpu.memory_space<vmem>>, vector<1x128xf32>,
    %get3A_26 = arith.constant 16 : index
    %get3A_27 = arith.constant 0 : index
    %get3A_28 = vector.load %arg4[%get3A_26, %get3A_27] : memref<32x128xf32, #tpu.memory_space<vmem>>, vector<1x128xf32>
    %get3A_29 = vector.shape_cast %get3A_28 : vector<1x128xf32> to vector<128xf32>
    %mul3A_30 = arith.mulf %convert_element_type3A_16, %sub3A_11 : vector<8192x128xf32>
    %reduce_sum3A_31 = arith.constant dense<0.000000e+00> : vector<128xf32>
    %reduce_sum3A_32 = vector.multi_reduction <add>, %mul3A_30, %reduce_sum3A_31 [0] : vector<8192x128xf32> to vector<128xf32>
    %add3A_33 = arith.addf %get3A_29, %reduce_sum3A_32 : vector<128xf32>
    %swap3A_34 = arith.constant 16 : index
    %swap3A_35 = arith.constant 0 : index
    %swap3A_36 = vector.load %arg4[%swap3A_34, %swap3A_35] : memref<32x128xf32, #tpu.memory_space<vmem>>, vector<1x128xf32>
    %swap3A_37 = vector.shape_cast %swap3A_36 : vector<1x128xf32> to vector<128xf32>
    %swap3A_38 = vector.shape_cast %add3A_33 : vector<128xf32> to vector<1x128xf32>
    tpu.vector_store %arg4[%swap3A_34, %swap3A_35], %swap3A_38 {strides = array<i32>} : memref<32x128xf32, #tpu.memory_space<vmem>>, vector<1x128xf32>,
    %eq3A_39 = arith.constant 1.000000e+00 : f32
    %eq3A_40 = vector.broadcast %eq3A_39 : f32 to vector<8192x128xf32>
    %eq3A_41 = arith.cmpf oeq, %sub3A_10, %eq3A_40 : vector<8192x128xf32>
    %convert_element_type3A_42 = arith.extui %eq3A_41 : vector<8192x128xi1> to vector<8192x128xi32>
    %convert_element_type3A_43 = arith.sitofp %convert_element_type3A_42 : vector<8192x128xi32> to vector<8192x128xf32>
    %get3A_44 = arith.constant 1 : index
    %get3A_45 = arith.constant 0 : index
    %get3A_46 = vector.load %arg4[%get3A_44, %get3A_45] : memref<32x128xf32, #tpu.memory_space<vmem>>, vector<1x128xf32>
    %get3A_47 = vector.shape_cast %get3A_46 : vector<1x128xf32> to vector<128xf32>
    %reduce_sum3A_48 = arith.constant dense<0.000000e+00> : vector<128xf32>
    %reduce_sum3A_49 = vector.multi_reduction <add>, %convert_element_type3A_43, %reduce_sum3A_48 [0] : vector<8192x128xf32> to vector<128xf32>
    %add3A_50 = arith.addf %get3A_47, %reduce_sum3A_49 : vector<128xf32>
    %swap3A_51 = arith.constant 1 : index
    %swap3A_52 = arith.constant 0 : index
    %swap3A_53 = vector.load %arg4[%swap3A_51, %swap3A_52] : memref<32x128xf32, #tpu.memory_space<vmem>>, vector<1x128xf32>
    %swap3A_54 = vector.shape_cast %swap3A_53 : vector<1x128xf32> to vector<128xf32>
    %swap3A_55 = vector.shape_cast %add3A_50 : vector<128xf32> to vector<1x128xf32>
    tpu.vector_store %arg4[%swap3A_51, %swap3A_52], %swap3A_55 {strides = array<i32>} : memref<32x128xf32, #tpu.memory_space<vmem>>, vector<1x128xf32>,
    %get3A_56 = arith.constant 17 : index
    %get3A_57 = arith.constant 0 : index
    %get3A_58 = vector.load %arg4[%get3A_56, %get3A_57] : memref<32x128xf32, #tpu.memory_space<vmem>>, vector<1x128xf32>
    %get3A_59 = vector.shape_cast %get3A_58 : vector<1x128xf32> to vector<128xf32>
    %mul3A_60 = arith.mulf %convert_element_type3A_43, %sub3A_11 : vector<8192x128xf32>
    %reduce_sum3A_61 = arith.constant dense<0.000000e+00> : vector<128xf32>
    %reduce_sum3A_62 = vector.multi_reduction <add>, %mul3A_60, %reduce_sum3A_61 [0] : vector<8192x128xf32> to vector<128xf32>
    %add3A_63 = arith.addf %get3A_59, %reduce_sum3A_62 : vector<128xf32>
    %swap3A_64 = arith.constant 17 : index
    %swap3A_65 = arith.constant 0 : index
    %swap3A_66 = vector.load %arg4[%swap3A_64, %swap3A_65] : memref<32x128xf32, #tpu.memory_space<vmem>>, vector<1x128xf32>
    %swap3A_67 = vector.shape_cast %swap3A_66 : vector<1x128xf32> to vector<128xf32>
    %swap3A_68 = vector.shape_cast %add3A_63 : vector<128xf32> to vector<1x128xf32>
    tpu.vector_store %arg4[%swap3A_64, %swap3A_65], %swap3A_68 {strides = array<i32>} : memref<32x128xf32, #tpu.memory_space<vmem>>, vector<1x128xf32>,
    %eq3A_69 = arith.constant 2.000000e+00 : f32
    %eq3A_70 = vector.broadcast %eq3A_69 : f32 to vector<8192x128xf32>
    %eq3A_71 = arith.cmpf oeq, %sub3A_10, %eq3A_70 : vector<8192x128xf32>
    %convert_element_type3A_72 = arith.extui %eq3A_71 : vector<8192x128xi1> to vector<8192x128xi32>
    %convert_element_type3A_73 = arith.sitofp %convert_element_type3A_72 : vector<8192x128xi32> to vector<8192x128xf32>
    %get3A_74 = arith.constant 2 : index
    %get3A_75 = arith.constant 0 : index
    %get3A_76 = vector.load %arg4[%get3A_74, %get3A_75] : memref<32x128xf32, #tpu.memory_space<vmem>>, vector<1x128xf32>
    %get3A_77 = vector.shape_cast %get3A_76 : vector<1x128xf32> to vector<128xf32>
    %reduce_sum3A_78 = arith.constant dense<0.000000e+00> : vector<128xf32>
    %reduce_sum3A_79 = vector.multi_reduction <add>, %convert_element_type3A_73, %reduce_sum3A_78 [0] : vector<8192x128xf32> to vector<128xf32>
    %add3A_80 = arith.addf %get3A_77, %reduce_sum3A_79 : vector<128xf32>
    %swap3A_81 = arith.constant 2 : index
    %swap3A_82 = arith.constant 0 : index
    %swap3A_83 = vector.load %arg4[%swap3A_81, %swap3A_82] : memref<32x128xf32, #tpu.memory_space<vmem>>, vector<1x128xf32>
    %swap3A_84 = vector.shape_cast %swap3A_83 : vector<1x128xf32> to vector<128xf32>
    %swap3A_85 = vector.shape_cast %add3A_80 : vector<128xf32> to vector<1x128xf32>
    tpu.vector_store %arg4[%swap3A_81, %swap3A_82], %swap3A_85 {strides = array<i32>} : memref<32x128xf32, #tpu.memory_space<vmem>>, vector<1x128xf32>,
    %get3A_86 = arith.constant 18 : index
    %get3A_87 = arith.constant 0 : index
    %get3A_88 = vector.load %arg4[%get3A_86, %get3A_87] : memref<32x128xf32, #tpu.memory_space<vmem>>, vector<1x128xf32>
    %get3A_89 = vector.shape_cast %get3A_88 : vector<1x128xf32> to vector<128xf32>
    %mul3A_90 = arith.mulf %convert_element_type3A_73, %sub3A_11 : vector<8192x128xf32>
    %reduce_sum3A_91 = arith.constant dense<0.000000e+00> : vector<128xf32>
    %reduce_sum3A_92 = vector.multi_reduction <add>, %mul3A_90, %reduce_sum3A_91 [0] : vector<8192x128xf32> to vector<128xf32>
    %add3A_93 = arith.addf %get3A_89, %reduce_sum3A_92 : vector<128xf32>
    %swap3A_94 = arith.constant 18 : index
    %swap3A_95 = arith.constant 0 : index
    %swap3A_96 = vector.load %arg4[%swap3A_94, %swap3A_95] : memref<32x128xf32, #tpu.memory_space<vmem>>, vector<1x128xf32>
    %swap3A_97 = vector.shape_cast %swap3A_96 : vector<1x128xf32> to vector<128xf32>
    %swap3A_98 = vector.shape_cast %add3A_93 : vector<128xf32> to vector<1x128xf32>
    tpu.vector_store %arg4[%swap3A_94, %swap3A_95], %swap3A_98 {strides = array<i32>} : memref<32x128xf32, #tpu.memory_space<vmem>>, vector<1x128xf32>,
    %eq3A_99 = arith.constant 3.000000e+00 : f32
    %eq3A_100 = vector.broadcast %eq3A_99 : f32 to vector<8192x128xf32>
    %eq3A_101 = arith.cmpf oeq, %sub3A_10, %eq3A_100 : vector<8192x128xf32>
    %convert_element_type3A_102 = arith.extui %eq3A_101 : vector<8192x128xi1> to vector<8192x128xi32>
    %convert_element_type3A_103 = arith.sitofp %convert_element_type3A_102 : vector<8192x128xi32> to vector<8192x128xf32>
    %get3A_104 = arith.constant 3 : index
    %get3A_105 = arith.constant 0 : index
    %get3A_106 = vector.load %arg4[%get3A_104, %get3A_105] : memref<32x128xf32, #tpu.memory_space<vmem>>, vector<1x128xf32>
    %get3A_107 = vector.shape_cast %get3A_106 : vector<1x128xf32> to vector<128xf32>
    %reduce_sum3A_108 = arith.constant dense<0.000000e+00> : vector<128xf32>
    %reduce_sum3A_109 = vector.multi_reduction <add>, %convert_element_type3A_103, %reduce_sum3A_108 [0] : vector<8192x128xf32> to vector<128xf32>
    %add3A_110 = arith.addf %get3A_107, %reduce_sum3A_109 : vector<128xf32>
    %swap3A_111 = arith.constant 3 : index
    %swap3A_112 = arith.constant 0 : index
    %swap3A_113 = vector.load %arg4[%swap3A_111, %swap3A_112] : memref<32x128xf32, #tpu.memory_space<vmem>>, vector<1x128xf32>
    %swap3A_114 = vector.shape_cast %swap3A_113 : vector<1x128xf32> to vector<128xf32>
    %swap3A_115 = vector.shape_cast %add3A_110 : vector<128xf32> to vector<1x128xf32>
    tpu.vector_store %arg4[%swap3A_111, %swap3A_112], %swap3A_115 {strides = array<i32>} : memref<32x128xf32, #tpu.memory_space<vmem>>, vector<1x128xf32>,
    %get3A_116 = arith.constant 19 : index
    %get3A_117 = arith.constant 0 : index
    %get3A_118 = vector.load %arg4[%get3A_116, %get3A_117] : memref<32x128xf32, #tpu.memory_space<vmem>>, vector<1x128xf32>
    %get3A_119 = vector.shape_cast %get3A_118 : vector<1x128xf32> to vector<128xf32>
    %mul3A_120 = arith.mulf %convert_element_type3A_103, %sub3A_11 : vector<8192x128xf32>
    %reduce_sum3A_121 = arith.constant dense<0.000000e+00> : vector<128xf32>
    %reduce_sum3A_122 = vector.multi_reduction <add>, %mul3A_120, %reduce_sum3A_121 [0] : vector<8192x128xf32> to vector<128xf32>
    %add3A_123 = arith.addf %get3A_119, %reduce_sum3A_122 : vector<128xf32>
    %swap3A_124 = arith.constant 19 : index
    %swap3A_125 = arith.constant 0 : index
    %swap3A_126 = vector.load %arg4[%swap3A_124, %swap3A_125] : memref<32x128xf32, #tpu.memory_space<vmem>>, vector<1x128xf32>
    %swap3A_127 = vector.shape_cast %swap3A_126 : vector<1x128xf32> to vector<128xf32>
    %swap3A_128 = vector.shape_cast %add3A_123 : vector<128xf32> to vector<1x128xf32>
    tpu.vector_store %arg4[%swap3A_124, %swap3A_125], %swap3A_128 {strides = array<i32>} : memref<32x128xf32, #tpu.memory_space<vmem>>, vector<1x128xf32>,
    %eq3A_129 = arith.constant 4.000000e+00 : f32
    %eq3A_130 = vector.broadcast %eq3A_129 : f32 to vector<8192x128xf32>
    %eq3A_131 = arith.cmpf oeq, %sub3A_10, %eq3A_130 : vector<8192x128xf32>
    %convert_element_type3A_132 = arith.extui %eq3A_131 : vector<8192x128xi1> to vector<8192x128xi32>
    %convert_element_type3A_133 = arith.sitofp %convert_element_type3A_132 : vector<8192x128xi32> to vector<8192x128xf32>
    %get3A_134 = arith.constant 4 : index
    %get3A_135 = arith.constant 0 : index
    %get3A_136 = vector.load %arg4[%get3A_134, %get3A_135] : memref<32x128xf32, #tpu.memory_space<vmem>>, vector<1x128xf32>
    %get3A_137 = vector.shape_cast %get3A_136 : vector<1x128xf32> to vector<128xf32>
    %reduce_sum3A_138 = arith.constant dense<0.000000e+00> : vector<128xf32>
    %reduce_sum3A_139 = vector.multi_reduction <add>, %convert_element_type3A_133, %reduce_sum3A_138 [0] : vector<8192x128xf32> to vector<128xf32>
    %add3A_140 = arith.addf %get3A_137, %reduce_sum3A_139 : vector<128xf32>
    %swap3A_141 = arith.constant 4 : index
    %swap3A_142 = arith.constant 0 : index
    %swap3A_143 = vector.load %arg4[%swap3A_141, %swap3A_142] : memref<32x128xf32, #tpu.memory_space<vmem>>, vector<1x128xf32>
    %swap3A_144 = vector.shape_cast %swap3A_143 : vector<1x128xf32> to vector<128xf32>
    %swap3A_145 = vector.shape_cast %add3A_140 : vector<128xf32> to vector<1x128xf32>
    tpu.vector_store %arg4[%swap3A_141, %swap3A_142], %swap3A_145 {strides = array<i32>} : memref<32x128xf32, #tpu.memory_space<vmem>>, vector<1x128xf32>,
    %get3A_146 = arith.constant 20 : index
    %get3A_147 = arith.constant 0 : index
    %get3A_148 = vector.load %arg4[%get3A_146, %get3A_147] : memref<32x128xf32, #tpu.memory_space<vmem>>, vector<1x128xf32>
    %get3A_149 = vector.shape_cast %get3A_148 : vector<1x128xf32> to vector<128xf32>
    %mul3A_150 = arith.mulf %convert_element_type3A_133, %sub3A_11 : vector<8192x128xf32>
    %reduce_sum3A_151 = arith.constant dense<0.000000e+00> : vector<128xf32>
    %reduce_sum3A_152 = vector.multi_reduction <add>, %mul3A_150, %reduce_sum3A_151 [0] : vector<8192x128xf32> to vector<128xf32>
    %add3A_153 = arith.addf %get3A_149, %reduce_sum3A_152 : vector<128xf32>
    %swap3A_154 = arith.constant 20 : index
    %swap3A_155 = arith.constant 0 : index
    %swap3A_156 = vector.load %arg4[%swap3A_154, %swap3A_155] : memref<32x128xf32, #tpu.memory_space<vmem>>, vector<1x128xf32>
    %swap3A_157 = vector.shape_cast %swap3A_156 : vector<1x128xf32> to vector<128xf32>
    %swap3A_158 = vector.shape_cast %add3A_153 : vector<128xf32> to vector<1x128xf32>
    tpu.vector_store %arg4[%swap3A_154, %swap3A_155], %swap3A_158 {strides = array<i32>} : memref<32x128xf32, #tpu.memory_space<vmem>>, vector<1x128xf32>,
    %eq3A_159 = arith.constant 5.000000e+00 : f32
    %eq3A_160 = vector.broadcast %eq3A_159 : f32 to vector<8192x128xf32>
    %eq3A_161 = arith.cmpf oeq, %sub3A_10, %eq3A_160 : vector<8192x128xf32>
    %convert_element_type3A_162 = arith.extui %eq3A_161 : vector<8192x128xi1> to vector<8192x128xi32>
    %convert_element_type3A_163 = arith.sitofp %convert_element_type3A_162 : vector<8192x128xi32> to vector<8192x128xf32>
    %get3A_164 = arith.constant 5 : index
    %get3A_165 = arith.constant 0 : index
    %get3A_166 = vector.load %arg4[%get3A_164, %get3A_165] : memref<32x128xf32, #tpu.memory_space<vmem>>, vector<1x128xf32>
    %get3A_167 = vector.shape_cast %get3A_166 : vector<1x128xf32> to vector<128xf32>
    %reduce_sum3A_168 = arith.constant dense<0.000000e+00> : vector<128xf32>
    %reduce_sum3A_169 = vector.multi_reduction <add>, %convert_element_type3A_163, %reduce_sum3A_168 [0] : vector<8192x128xf32> to vector<128xf32>
    %add3A_170 = arith.addf %get3A_167, %reduce_sum3A_169 : vector<128xf32>
    %swap3A_171 = arith.constant 5 : index
    %swap3A_172 = arith.constant 0 : index
    %swap3A_173 = vector.load %arg4[%swap3A_171, %swap3A_172] : memref<32x128xf32, #tpu.memory_space<vmem>>, vector<1x128xf32>
    %swap3A_174 = vector.shape_cast %swap3A_173 : vector<1x128xf32> to vector<128xf32>
    %swap3A_175 = vector.shape_cast %add3A_170 : vector<128xf32> to vector<1x128xf32>
    tpu.vector_store %arg4[%swap3A_171, %swap3A_172], %swap3A_175 {strides = array<i32>} : memref<32x128xf32, #tpu.memory_space<vmem>>, vector<1x128xf32>,
    %get3A_176 = arith.constant 21 : index
    %get3A_177 = arith.constant 0 : index
    %get3A_178 = vector.load %arg4[%get3A_176, %get3A_177] : memref<32x128xf32, #tpu.memory_space<vmem>>, vector<1x128xf32>
    %get3A_179 = vector.shape_cast %get3A_178 : vector<1x128xf32> to vector<128xf32>
    %mul3A_180 = arith.mulf %convert_element_type3A_163, %sub3A_11 : vector<8192x128xf32>
    %reduce_sum3A_181 = arith.constant dense<0.000000e+00> : vector<128xf32>
    %reduce_sum3A_182 = vector.multi_reduction <add>, %mul3A_180, %reduce_sum3A_181 [0] : vector<8192x128xf32> to vector<128xf32>
    %add3A_183 = arith.addf %get3A_179, %reduce_sum3A_182 : vector<128xf32>
    %swap3A_184 = arith.constant 21 : index
    %swap3A_185 = arith.constant 0 : index
    %swap3A_186 = vector.load %arg4[%swap3A_184, %swap3A_185] : memref<32x128xf32, #tpu.memory_space<vmem>>, vector<1x128xf32>
    %swap3A_187 = vector.shape_cast %swap3A_186 : vector<1x128xf32> to vector<128xf32>
    %swap3A_188 = vector.shape_cast %add3A_183 : vector<128xf32> to vector<1x128xf32>
    tpu.vector_store %arg4[%swap3A_184, %swap3A_185], %swap3A_188 {strides = array<i32>} : memref<32x128xf32, #tpu.memory_space<vmem>>, vector<1x128xf32>,
    %eq3A_189 = arith.constant 6.000000e+00 : f32
    %eq3A_190 = vector.broadcast %eq3A_189 : f32 to vector<8192x128xf32>
    %eq3A_191 = arith.cmpf oeq, %sub3A_10, %eq3A_190 : vector<8192x128xf32>
    %convert_element_type3A_192 = arith.extui %eq3A_191 : vector<8192x128xi1> to vector<8192x128xi32>
    %convert_element_type3A_193 = arith.sitofp %convert_element_type3A_192 : vector<8192x128xi32> to vector<8192x128xf32>
    %get3A_194 = arith.constant 6 : index
    %get3A_195 = arith.constant 0 : index
    %get3A_196 = vector.load %arg4[%get3A_194, %get3A_195] : memref<32x128xf32, #tpu.memory_space<vmem>>, vector<1x128xf32>
    %get3A_197 = vector.shape_cast %get3A_196 : vector<1x128xf32> to vector<128xf32>
    %reduce_sum3A_198 = arith.constant dense<0.000000e+00> : vector<128xf32>
    %reduce_sum3A_199 = vector.multi_reduction <add>, %convert_element_type3A_193, %reduce_sum3A_198 [0] : vector<8192x128xf32> to vector<128xf32>
    %add3A_200 = arith.addf %get3A_197, %reduce_sum3A_199 : vector<128xf32>
    %swap3A_201 = arith.constant 6 : index
    %swap3A_202 = arith.constant 0 : index
    %swap3A_203 = vector.load %arg4[%swap3A_201, %swap3A_202] : memref<32x128xf32, #tpu.memory_space<vmem>>, vector<1x128xf32>
    %swap3A_204 = vector.shape_cast %swap3A_203 : vector<1x128xf32> to vector<128xf32>
    %swap3A_205 = vector.shape_cast %add3A_200 : vector<128xf32> to vector<1x128xf32>
    tpu.vector_store %arg4[%swap3A_201, %swap3A_202], %swap3A_205 {strides = array<i32>} : memref<32x128xf32, #tpu.memory_space<vmem>>, vector<1x128xf32>,
    %get3A_206 = arith.constant 22 : index
    %get3A_207 = arith.constant 0 : index
    %get3A_208 = vector.load %arg4[%get3A_206, %get3A_207] : memref<32x128xf32, #tpu.memory_space<vmem>>, vector<1x128xf32>
    %get3A_209 = vector.shape_cast %get3A_208 : vector<1x128xf32> to vector<128xf32>
    %mul3A_210 = arith.mulf %convert_element_type3A_193, %sub3A_11 : vector<8192x128xf32>
    %reduce_sum3A_211 = arith.constant dense<0.000000e+00> : vector<128xf32>
    %reduce_sum3A_212 = vector.multi_reduction <add>, %mul3A_210, %reduce_sum3A_211 [0] : vector<8192x128xf32> to vector<128xf32>
    %add3A_213 = arith.addf %get3A_209, %reduce_sum3A_212 : vector<128xf32>
    %swap3A_214 = arith.constant 22 : index
    %swap3A_215 = arith.constant 0 : index
    %swap3A_216 = vector.load %arg4[%swap3A_214, %swap3A_215] : memref<32x128xf32, #tpu.memory_space<vmem>>, vector<1x128xf32>
    %swap3A_217 = vector.shape_cast %swap3A_216 : vector<1x128xf32> to vector<128xf32>
    %swap3A_218 = vector.shape_cast %add3A_213 : vector<128xf32> to vector<1x128xf32>
    tpu.vector_store %arg4[%swap3A_214, %swap3A_215], %swap3A_218 {strides = array<i32>} : memref<32x128xf32, #tpu.memory_space<vmem>>, vector<1x128xf32>,
    %eq3A_219 = arith.constant 7.000000e+00 : f32
    %eq3A_220 = vector.broadcast %eq3A_219 : f32 to vector<8192x128xf32>
    %eq3A_221 = arith.cmpf oeq, %sub3A_10, %eq3A_220 : vector<8192x128xf32>
    %convert_element_type3A_222 = arith.extui %eq3A_221 : vector<8192x128xi1> to vector<8192x128xi32>
    %convert_element_type3A_223 = arith.sitofp %convert_element_type3A_222 : vector<8192x128xi32> to vector<8192x128xf32>
    %get3A_224 = arith.constant 7 : index
    %get3A_225 = arith.constant 0 : index
    %get3A_226 = vector.load %arg4[%get3A_224, %get3A_225] : memref<32x128xf32, #tpu.memory_space<vmem>>, vector<1x128xf32>
    %get3A_227 = vector.shape_cast %get3A_226 : vector<1x128xf32> to vector<128xf32>
    %reduce_sum3A_228 = arith.constant dense<0.000000e+00> : vector<128xf32>
    %reduce_sum3A_229 = vector.multi_reduction <add>, %convert_element_type3A_223, %reduce_sum3A_228 [0] : vector<8192x128xf32> to vector<128xf32>
    %add3A_230 = arith.addf %get3A_227, %reduce_sum3A_229 : vector<128xf32>
    %swap3A_231 = arith.constant 7 : index
    %swap3A_232 = arith.constant 0 : index
    %swap3A_233 = vector.load %arg4[%swap3A_231, %swap3A_232] : memref<32x128xf32, #tpu.memory_space<vmem>>, vector<1x128xf32>
    %swap3A_234 = vector.shape_cast %swap3A_233 : vector<1x128xf32> to vector<128xf32>
    %swap3A_235 = vector.shape_cast %add3A_230 : vector<128xf32> to vector<1x128xf32>
    tpu.vector_store %arg4[%swap3A_231, %swap3A_232], %swap3A_235 {strides = array<i32>} : memref<32x128xf32, #tpu.memory_space<vmem>>, vector<1x128xf32>,
    %get3A_236 = arith.constant 23 : index
    %get3A_237 = arith.constant 0 : index
    %get3A_238 = vector.load %arg4[%get3A_236, %get3A_237] : memref<32x128xf32, #tpu.memory_space<vmem>>, vector<1x128xf32>
    %get3A_239 = vector.shape_cast %get3A_238 : vector<1x128xf32> to vector<128xf32>
    %mul3A_240 = arith.mulf %convert_element_type3A_223, %sub3A_11 : vector<8192x128xf32>
    %reduce_sum3A_241 = arith.constant dense<0.000000e+00> : vector<128xf32>
    %reduce_sum3A_242 = vector.multi_reduction <add>, %mul3A_240, %reduce_sum3A_241 [0] : vector<8192x128xf32> to vector<128xf32>
    %add3A_243 = arith.addf %get3A_239, %reduce_sum3A_242 : vector<128xf32>
    %swap3A_244 = arith.constant 23 : index
    %swap3A_245 = arith.constant 0 : index
    %swap3A_246 = vector.load %arg4[%swap3A_244, %swap3A_245] : memref<32x128xf32, #tpu.memory_space<vmem>>, vector<1x128xf32>
    %swap3A_247 = vector.shape_cast %swap3A_246 : vector<1x128xf32> to vector<128xf32>
    %swap3A_248 = vector.shape_cast %add3A_243 : vector<128xf32> to vector<1x128xf32>
    tpu.vector_store %arg4[%swap3A_244, %swap3A_245], %swap3A_248 {strides = array<i32>} : memref<32x128xf32, #tpu.memory_space<vmem>>, vector<1x128xf32>,
    %eq3A_249 = arith.constant 8.000000e+00 : f32
    %eq3A_250 = vector.broadcast %eq3A_249 : f32 to vector<8192x128xf32>
    %eq3A_251 = arith.cmpf oeq, %sub3A_10, %eq3A_250 : vector<8192x128xf32>
    %convert_element_type3A_252 = arith.extui %eq3A_251 : vector<8192x128xi1> to vector<8192x128xi32>
    %convert_element_type3A_253 = arith.sitofp %convert_element_type3A_252 : vector<8192x128xi32> to vector<8192x128xf32>
    %get3A_254 = arith.constant 8 : index
    %get3A_255 = arith.constant 0 : index
    %get3A_256 = vector.load %arg4[%get3A_254, %get3A_255] : memref<32x128xf32, #tpu.memory_space<vmem>>, vector<1x128xf32>
    %get3A_257 = vector.shape_cast %get3A_256 : vector<1x128xf32> to vector<128xf32>
    %reduce_sum3A_258 = arith.constant dense<0.000000e+00> : vector<128xf32>
    %reduce_sum3A_259 = vector.multi_reduction <add>, %convert_element_type3A_253, %reduce_sum3A_258 [0] : vector<8192x128xf32> to vector<128xf32>
    %add3A_260 = arith.addf %get3A_257, %reduce_sum3A_259 : vector<128xf32>
    %swap3A_261 = arith.constant 8 : index
    %swap3A_262 = arith.constant 0 : index
    %swap3A_263 = vector.load %arg4[%swap3A_261, %swap3A_262] : memref<32x128xf32, #tpu.memory_space<vmem>>, vector<1x128xf32>
    %swap3A_264 = vector.shape_cast %swap3A_263 : vector<1x128xf32> to vector<128xf32>
    %swap3A_265 = vector.shape_cast %add3A_260 : vector<128xf32> to vector<1x128xf32>
    tpu.vector_store %arg4[%swap3A_261, %swap3A_262], %swap3A_265 {strides = array<i32>} : memref<32x128xf32, #tpu.memory_space<vmem>>, vector<1x128xf32>,
    %get3A_266 = arith.constant 24 : index
    %get3A_267 = arith.constant 0 : index
    %get3A_268 = vector.load %arg4[%get3A_266, %get3A_267] : memref<32x128xf32, #tpu.memory_space<vmem>>, vector<1x128xf32>
    %get3A_269 = vector.shape_cast %get3A_268 : vector<1x128xf32> to vector<128xf32>
    %mul3A_270 = arith.mulf %convert_element_type3A_253, %sub3A_11 : vector<8192x128xf32>
    %reduce_sum3A_271 = arith.constant dense<0.000000e+00> : vector<128xf32>
    %reduce_sum3A_272 = vector.multi_reduction <add>, %mul3A_270, %reduce_sum3A_271 [0] : vector<8192x128xf32> to vector<128xf32>
    %add3A_273 = arith.addf %get3A_269, %reduce_sum3A_272 : vector<128xf32>
    %swap3A_274 = arith.constant 24 : index
    %swap3A_275 = arith.constant 0 : index
    %swap3A_276 = vector.load %arg4[%swap3A_274, %swap3A_275] : memref<32x128xf32, #tpu.memory_space<vmem>>, vector<1x128xf32>
    %swap3A_277 = vector.shape_cast %swap3A_276 : vector<1x128xf32> to vector<128xf32>
    %swap3A_278 = vector.shape_cast %add3A_273 : vector<128xf32> to vector<1x128xf32>
    tpu.vector_store %arg4[%swap3A_274, %swap3A_275], %swap3A_278 {strides = array<i32>} : memref<32x128xf32, #tpu.memory_space<vmem>>, vector<1x128xf32>,
    %eq3A_279 = arith.constant 9.000000e+00 : f32
    %eq3A_280 = vector.broadcast %eq3A_279 : f32 to vector<8192x128xf32>
    %eq3A_281 = arith.cmpf oeq, %sub3A_10, %eq3A_280 : vector<8192x128xf32>
    %convert_element_type3A_282 = arith.extui %eq3A_281 : vector<8192x128xi1> to vector<8192x128xi32>
    %convert_element_type3A_283 = arith.sitofp %convert_element_type3A_282 : vector<8192x128xi32> to vector<8192x128xf32>
    %get3A_284 = arith.constant 9 : index
    %get3A_285 = arith.constant 0 : index
    %get3A_286 = vector.load %arg4[%get3A_284, %get3A_285] : memref<32x128xf32, #tpu.memory_space<vmem>>, vector<1x128xf32>
    %get3A_287 = vector.shape_cast %get3A_286 : vector<1x128xf32> to vector<128xf32>
    %reduce_sum3A_288 = arith.constant dense<0.000000e+00> : vector<128xf32>
    %reduce_sum3A_289 = vector.multi_reduction <add>, %convert_element_type3A_283, %reduce_sum3A_288 [0] : vector<8192x128xf32> to vector<128xf32>
    %add3A_290 = arith.addf %get3A_287, %reduce_sum3A_289 : vector<128xf32>
    %swap3A_291 = arith.constant 9 : index
    %swap3A_292 = arith.constant 0 : index
    %swap3A_293 = vector.load %arg4[%swap3A_291, %swap3A_292] : memref<32x128xf32, #tpu.memory_space<vmem>>, vector<1x128xf32>
    %swap3A_294 = vector.shape_cast %swap3A_293 : vector<1x128xf32> to vector<128xf32>
    %swap3A_295 = vector.shape_cast %add3A_290 : vector<128xf32> to vector<1x128xf32>
    tpu.vector_store %arg4[%swap3A_291, %swap3A_292], %swap3A_295 {strides = array<i32>} : memref<32x128xf32, #tpu.memory_space<vmem>>, vector<1x128xf32>,
    %get3A_296 = arith.constant 25 : index
    %get3A_297 = arith.constant 0 : index
    %get3A_298 = vector.load %arg4[%get3A_296, %get3A_297] : memref<32x128xf32, #tpu.memory_space<vmem>>, vector<1x128xf32>
    %get3A_299 = vector.shape_cast %get3A_298 : vector<1x128xf32> to vector<128xf32>
    %mul3A_300 = arith.mulf %convert_element_type3A_283, %sub3A_11 : vector<8192x128xf32>
    %reduce_sum3A_301 = arith.constant dense<0.000000e+00> : vector<128xf32>
    %reduce_sum3A_302 = vector.multi_reduction <add>, %mul3A_300, %reduce_sum3A_301 [0] : vector<8192x128xf32> to vector<128xf32>
    %add3A_303 = arith.addf %get3A_299, %reduce_sum3A_302 : vector<128xf32>
    %swap3A_304 = arith.constant 25 : index
    %swap3A_305 = arith.constant 0 : index
    %swap3A_306 = vector.load %arg4[%swap3A_304, %swap3A_305] : memref<32x128xf32, #tpu.memory_space<vmem>>, vector<1x128xf32>
    %swap3A_307 = vector.shape_cast %swap3A_306 : vector<1x128xf32> to vector<128xf32>
    %swap3A_308 = vector.shape_cast %add3A_303 : vector<128xf32> to vector<1x128xf32>
    tpu.vector_store %arg4[%swap3A_304, %swap3A_305], %swap3A_308 {strides = array<i32>} : memref<32x128xf32, #tpu.memory_space<vmem>>, vector<1x128xf32>,
    %eq3A_309 = arith.constant 1.000000e+01 : f32
    %eq3A_310 = vector.broadcast %eq3A_309 : f32 to vector<8192x128xf32>
    %eq3A_311 = arith.cmpf oeq, %sub3A_10, %eq3A_310 : vector<8192x128xf32>
    %convert_element_type3A_312 = arith.extui %eq3A_311 : vector<8192x128xi1> to vector<8192x128xi32>
    %convert_element_type3A_313 = arith.sitofp %convert_element_type3A_312 : vector<8192x128xi32> to vector<8192x128xf32>
    %get3A_314 = arith.constant 10 : index
    %get3A_315 = arith.constant 0 : index
    %get3A_316 = vector.load %arg4[%get3A_314, %get3A_315] : memref<32x128xf32, #tpu.memory_space<vmem>>, vector<1x128xf32>
    %get3A_317 = vector.shape_cast %get3A_316 : vector<1x128xf32> to vector<128xf32>
    %reduce_sum3A_318 = arith.constant dense<0.000000e+00> : vector<128xf32>
    %reduce_sum3A_319 = vector.multi_reduction <add>, %convert_element_type3A_313, %reduce_sum3A_318 [0] : vector<8192x128xf32> to vector<128xf32>
    %add3A_320 = arith.addf %get3A_317, %reduce_sum3A_319 : vector<128xf32>
    %swap3A_321 = arith.constant 10 : index
    %swap3A_322 = arith.constant 0 : index
    %swap3A_323 = vector.load %arg4[%swap3A_321, %swap3A_322] : memref<32x128xf32, #tpu.memory_space<vmem>>, vector<1x128xf32>
    %swap3A_324 = vector.shape_cast %swap3A_323 : vector<1x128xf32> to vector<128xf32>
    %swap3A_325 = vector.shape_cast %add3A_320 : vector<128xf32> to vector<1x128xf32>
    tpu.vector_store %arg4[%swap3A_321, %swap3A_322], %swap3A_325 {strides = array<i32>} : memref<32x128xf32, #tpu.memory_space<vmem>>, vector<1x128xf32>,
    %get3A_326 = arith.constant 26 : index
    %get3A_327 = arith.constant 0 : index
    %get3A_328 = vector.load %arg4[%get3A_326, %get3A_327] : memref<32x128xf32, #tpu.memory_space<vmem>>, vector<1x128xf32>
    %get3A_329 = vector.shape_cast %get3A_328 : vector<1x128xf32> to vector<128xf32>
    %mul3A_330 = arith.mulf %convert_element_type3A_313, %sub3A_11 : vector<8192x128xf32>
    %reduce_sum3A_331 = arith.constant dense<0.000000e+00> : vector<128xf32>
    %reduce_sum3A_332 = vector.multi_reduction <add>, %mul3A_330, %reduce_sum3A_331 [0] : vector<8192x128xf32> to vector<128xf32>
    %add3A_333 = arith.addf %get3A_329, %reduce_sum3A_332 : vector<128xf32>
    %swap3A_334 = arith.constant 26 : index
    %swap3A_335 = arith.constant 0 : index
    %swap3A_336 = vector.load %arg4[%swap3A_334, %swap3A_335] : memref<32x128xf32, #tpu.memory_space<vmem>>, vector<1x128xf32>
    %swap3A_337 = vector.shape_cast %swap3A_336 : vector<1x128xf32> to vector<128xf32>
    %swap3A_338 = vector.shape_cast %add3A_333 : vector<128xf32> to vector<1x128xf32>
    tpu.vector_store %arg4[%swap3A_334, %swap3A_335], %swap3A_338 {strides = array<i32>} : memref<32x128xf32, #tpu.memory_space<vmem>>, vector<1x128xf32>,
    %eq3A_339 = arith.constant 1.100000e+01 : f32
    %eq3A_340 = vector.broadcast %eq3A_339 : f32 to vector<8192x128xf32>
    %eq3A_341 = arith.cmpf oeq, %sub3A_10, %eq3A_340 : vector<8192x128xf32>
    %convert_element_type3A_342 = arith.extui %eq3A_341 : vector<8192x128xi1> to vector<8192x128xi32>
    %convert_element_type3A_343 = arith.sitofp %convert_element_type3A_342 : vector<8192x128xi32> to vector<8192x128xf32>
    %get3A_344 = arith.constant 11 : index
    %get3A_345 = arith.constant 0 : index
    %get3A_346 = vector.load %arg4[%get3A_344, %get3A_345] : memref<32x128xf32, #tpu.memory_space<vmem>>, vector<1x128xf32>
    %get3A_347 = vector.shape_cast %get3A_346 : vector<1x128xf32> to vector<128xf32>
    %reduce_sum3A_348 = arith.constant dense<0.000000e+00> : vector<128xf32>
    %reduce_sum3A_349 = vector.multi_reduction <add>, %convert_element_type3A_343, %reduce_sum3A_348 [0] : vector<8192x128xf32> to vector<128xf32>
    %add3A_350 = arith.addf %get3A_347, %reduce_sum3A_349 : vector<128xf32>
    %swap3A_351 = arith.constant 11 : index
    %swap3A_352 = arith.constant 0 : index
    %swap3A_353 = vector.load %arg4[%swap3A_351, %swap3A_352] : memref<32x128xf32, #tpu.memory_space<vmem>>, vector<1x128xf32>
    %swap3A_354 = vector.shape_cast %swap3A_353 : vector<1x128xf32> to vector<128xf32>
    %swap3A_355 = vector.shape_cast %add3A_350 : vector<128xf32> to vector<1x128xf32>
    tpu.vector_store %arg4[%swap3A_351, %swap3A_352], %swap3A_355 {strides = array<i32>} : memref<32x128xf32, #tpu.memory_space<vmem>>, vector<1x128xf32>,
    %get3A_356 = arith.constant 27 : index
    %get3A_357 = arith.constant 0 : index
    %get3A_358 = vector.load %arg4[%get3A_356, %get3A_357] : memref<32x128xf32, #tpu.memory_space<vmem>>, vector<1x128xf32>
    %get3A_359 = vector.shape_cast %get3A_358 : vector<1x128xf32> to vector<128xf32>
    %mul3A_360 = arith.mulf %convert_element_type3A_343, %sub3A_11 : vector<8192x128xf32>
    %reduce_sum3A_361 = arith.constant dense<0.000000e+00> : vector<128xf32>
    %reduce_sum3A_362 = vector.multi_reduction <add>, %mul3A_360, %reduce_sum3A_361 [0] : vector<8192x128xf32> to vector<128xf32>
    %add3A_363 = arith.addf %get3A_359, %reduce_sum3A_362 : vector<128xf32>
    %swap3A_364 = arith.constant 27 : index
    %swap3A_365 = arith.constant 0 : index
    %swap3A_366 = vector.load %arg4[%swap3A_364, %swap3A_365] : memref<32x128xf32, #tpu.memory_space<vmem>>, vector<1x128xf32>
    %swap3A_367 = vector.shape_cast %swap3A_366 : vector<1x128xf32> to vector<128xf32>
    %swap3A_368 = vector.shape_cast %add3A_363 : vector<128xf32> to vector<1x128xf32>
    tpu.vector_store %arg4[%swap3A_364, %swap3A_365], %swap3A_368 {strides = array<i32>} : memref<32x128xf32, #tpu.memory_space<vmem>>, vector<1x128xf32>,
    %eq3A_369 = arith.constant 1.200000e+01 : f32
    %eq3A_370 = vector.broadcast %eq3A_369 : f32 to vector<8192x128xf32>
    %eq3A_371 = arith.cmpf oeq, %sub3A_10, %eq3A_370 : vector<8192x128xf32>
    %convert_element_type3A_372 = arith.extui %eq3A_371 : vector<8192x128xi1> to vector<8192x128xi32>
    %convert_element_type3A_373 = arith.sitofp %convert_element_type3A_372 : vector<8192x128xi32> to vector<8192x128xf32>
    %get3A_374 = arith.constant 12 : index
    %get3A_375 = arith.constant 0 : index
    %get3A_376 = vector.load %arg4[%get3A_374, %get3A_375] : memref<32x128xf32, #tpu.memory_space<vmem>>, vector<1x128xf32>
    %get3A_377 = vector.shape_cast %get3A_376 : vector<1x128xf32> to vector<128xf32>
    %reduce_sum3A_378 = arith.constant dense<0.000000e+00> : vector<128xf32>
    %reduce_sum3A_379 = vector.multi_reduction <add>, %convert_element_type3A_373, %reduce_sum3A_378 [0] : vector<8192x128xf32> to vector<128xf32>
    %add3A_380 = arith.addf %get3A_377, %reduce_sum3A_379 : vector<128xf32>
    %swap3A_381 = arith.constant 12 : index
    %swap3A_382 = arith.constant 0 : index
    %swap3A_383 = vector.load %arg4[%swap3A_381, %swap3A_382] : memref<32x128xf32, #tpu.memory_space<vmem>>, vector<1x128xf32>
    %swap3A_384 = vector.shape_cast %swap3A_383 : vector<1x128xf32> to vector<128xf32>
    %swap3A_385 = vector.shape_cast %add3A_380 : vector<128xf32> to vector<1x128xf32>
    tpu.vector_store %arg4[%swap3A_381, %swap3A_382], %swap3A_385 {strides = array<i32>} : memref<32x128xf32, #tpu.memory_space<vmem>>, vector<1x128xf32>,
    %get3A_386 = arith.constant 28 : index
    %get3A_387 = arith.constant 0 : index
    %get3A_388 = vector.load %arg4[%get3A_386, %get3A_387] : memref<32x128xf32, #tpu.memory_space<vmem>>, vector<1x128xf32>
    %get3A_389 = vector.shape_cast %get3A_388 : vector<1x128xf32> to vector<128xf32>
    %mul3A_390 = arith.mulf %convert_element_type3A_373, %sub3A_11 : vector<8192x128xf32>
    %reduce_sum3A_391 = arith.constant dense<0.000000e+00> : vector<128xf32>
    %reduce_sum3A_392 = vector.multi_reduction <add>, %mul3A_390, %reduce_sum3A_391 [0] : vector<8192x128xf32> to vector<128xf32>
    %add3A_393 = arith.addf %get3A_389, %reduce_sum3A_392 : vector<128xf32>
    %swap3A_394 = arith.constant 28 : index
    %swap3A_395 = arith.constant 0 : index
    %swap3A_396 = vector.load %arg4[%swap3A_394, %swap3A_395] : memref<32x128xf32, #tpu.memory_space<vmem>>, vector<1x128xf32>
    %swap3A_397 = vector.shape_cast %swap3A_396 : vector<1x128xf32> to vector<128xf32>
    %swap3A_398 = vector.shape_cast %add3A_393 : vector<128xf32> to vector<1x128xf32>
    tpu.vector_store %arg4[%swap3A_394, %swap3A_395], %swap3A_398 {strides = array<i32>} : memref<32x128xf32, #tpu.memory_space<vmem>>, vector<1x128xf32>,
    %eq3A_399 = arith.constant 1.300000e+01 : f32
    %eq3A_400 = vector.broadcast %eq3A_399 : f32 to vector<8192x128xf32>
    %eq3A_401 = arith.cmpf oeq, %sub3A_10, %eq3A_400 : vector<8192x128xf32>
    %convert_element_type3A_402 = arith.extui %eq3A_401 : vector<8192x128xi1> to vector<8192x128xi32>
    %convert_element_type3A_403 = arith.sitofp %convert_element_type3A_402 : vector<8192x128xi32> to vector<8192x128xf32>
    %get3A_404 = arith.constant 13 : index
    %get3A_405 = arith.constant 0 : index
    %get3A_406 = vector.load %arg4[%get3A_404, %get3A_405] : memref<32x128xf32, #tpu.memory_space<vmem>>, vector<1x128xf32>
    %get3A_407 = vector.shape_cast %get3A_406 : vector<1x128xf32> to vector<128xf32>
    %reduce_sum3A_408 = arith.constant dense<0.000000e+00> : vector<128xf32>
    %reduce_sum3A_409 = vector.multi_reduction <add>, %convert_element_type3A_403, %reduce_sum3A_408 [0] : vector<8192x128xf32> to vector<128xf32>
    %add3A_410 = arith.addf %get3A_407, %reduce_sum3A_409 : vector<128xf32>
    %swap3A_411 = arith.constant 13 : index
    %swap3A_412 = arith.constant 0 : index
    %swap3A_413 = vector.load %arg4[%swap3A_411, %swap3A_412] : memref<32x128xf32, #tpu.memory_space<vmem>>, vector<1x128xf32>
    %swap3A_414 = vector.shape_cast %swap3A_413 : vector<1x128xf32> to vector<128xf32>
    %swap3A_415 = vector.shape_cast %add3A_410 : vector<128xf32> to vector<1x128xf32>
    tpu.vector_store %arg4[%swap3A_411, %swap3A_412], %swap3A_415 {strides = array<i32>} : memref<32x128xf32, #tpu.memory_space<vmem>>, vector<1x128xf32>,
    %get3A_416 = arith.constant 29 : index
    %get3A_417 = arith.constant 0 : index
    %get3A_418 = vector.load %arg4[%get3A_416, %get3A_417] : memref<32x128xf32, #tpu.memory_space<vmem>>, vector<1x128xf32>
    %get3A_419 = vector.shape_cast %get3A_418 : vector<1x128xf32> to vector<128xf32>
    %mul3A_420 = arith.mulf %convert_element_type3A_403, %sub3A_11 : vector<8192x128xf32>
    %reduce_sum3A_421 = arith.constant dense<0.000000e+00> : vector<128xf32>
    %reduce_sum3A_422 = vector.multi_reduction <add>, %mul3A_420, %reduce_sum3A_421 [0] : vector<8192x128xf32> to vector<128xf32>
    %add3A_423 = arith.addf %get3A_419, %reduce_sum3A_422 : vector<128xf32>
    %swap3A_424 = arith.constant 29 : index
    %swap3A_425 = arith.constant 0 : index
    %swap3A_426 = vector.load %arg4[%swap3A_424, %swap3A_425] : memref<32x128xf32, #tpu.memory_space<vmem>>, vector<1x128xf32>
    %swap3A_427 = vector.shape_cast %swap3A_426 : vector<1x128xf32> to vector<128xf32>
    %swap3A_428 = vector.shape_cast %add3A_423 : vector<128xf32> to vector<1x128xf32>
    tpu.vector_store %arg4[%swap3A_424, %swap3A_425], %swap3A_428 {strides = array<i32>} : memref<32x128xf32, #tpu.memory_space<vmem>>, vector<1x128xf32>,
    %eq3A_429 = arith.constant 1.400000e+01 : f32
    %eq3A_430 = vector.broadcast %eq3A_429 : f32 to vector<8192x128xf32>
    %eq3A_431 = arith.cmpf oeq, %sub3A_10, %eq3A_430 : vector<8192x128xf32>
    %convert_element_type3A_432 = arith.extui %eq3A_431 : vector<8192x128xi1> to vector<8192x128xi32>
    %convert_element_type3A_433 = arith.sitofp %convert_element_type3A_432 : vector<8192x128xi32> to vector<8192x128xf32>
    %get3A_434 = arith.constant 14 : index
    %get3A_435 = arith.constant 0 : index
    %get3A_436 = vector.load %arg4[%get3A_434, %get3A_435] : memref<32x128xf32, #tpu.memory_space<vmem>>, vector<1x128xf32>
    %get3A_437 = vector.shape_cast %get3A_436 : vector<1x128xf32> to vector<128xf32>
    %reduce_sum3A_438 = arith.constant dense<0.000000e+00> : vector<128xf32>
    %reduce_sum3A_439 = vector.multi_reduction <add>, %convert_element_type3A_433, %reduce_sum3A_438 [0] : vector<8192x128xf32> to vector<128xf32>
    %add3A_440 = arith.addf %get3A_437, %reduce_sum3A_439 : vector<128xf32>
    %swap3A_441 = arith.constant 14 : index
    %swap3A_442 = arith.constant 0 : index
    %swap3A_443 = vector.load %arg4[%swap3A_441, %swap3A_442] : memref<32x128xf32, #tpu.memory_space<vmem>>, vector<1x128xf32>
    %swap3A_444 = vector.shape_cast %swap3A_443 : vector<1x128xf32> to vector<128xf32>
    %swap3A_445 = vector.shape_cast %add3A_440 : vector<128xf32> to vector<1x128xf32>
    tpu.vector_store %arg4[%swap3A_441, %swap3A_442], %swap3A_445 {strides = array<i32>} : memref<32x128xf32, #tpu.memory_space<vmem>>, vector<1x128xf32>,
    %get3A_446 = arith.constant 30 : index
    %get3A_447 = arith.constant 0 : index
    %get3A_448 = vector.load %arg4[%get3A_446, %get3A_447] : memref<32x128xf32, #tpu.memory_space<vmem>>, vector<1x128xf32>
    %get3A_449 = vector.shape_cast %get3A_448 : vector<1x128xf32> to vector<128xf32>
    %mul3A_450 = arith.mulf %convert_element_type3A_433, %sub3A_11 : vector<8192x128xf32>
    %reduce_sum3A_451 = arith.constant dense<0.000000e+00> : vector<128xf32>
    %reduce_sum3A_452 = vector.multi_reduction <add>, %mul3A_450, %reduce_sum3A_451 [0] : vector<8192x128xf32> to vector<128xf32>
    %add3A_453 = arith.addf %get3A_449, %reduce_sum3A_452 : vector<128xf32>
    %swap3A_454 = arith.constant 30 : index
    %swap3A_455 = arith.constant 0 : index
    %swap3A_456 = vector.load %arg4[%swap3A_454, %swap3A_455] : memref<32x128xf32, #tpu.memory_space<vmem>>, vector<1x128xf32>
    %swap3A_457 = vector.shape_cast %swap3A_456 : vector<1x128xf32> to vector<128xf32>
    %swap3A_458 = vector.shape_cast %add3A_453 : vector<128xf32> to vector<1x128xf32>
    tpu.vector_store %arg4[%swap3A_454, %swap3A_455], %swap3A_458 {strides = array<i32>} : memref<32x128xf32, #tpu.memory_space<vmem>>, vector<1x128xf32>,
    %eq3A_459 = arith.constant 5 : i32
    %eq3A_460 = arith.cmpi eq, %arg0, %eq3A_459 : i32
    %convert_element_type3A_461 = arith.extui %eq3A_460 : i1 to i32
    %cond3A_462 = arith.constant 0 : i32
    %cond3A_463 = arith.cmpi ne, %convert_element_type3A_461, %cond3A_462 : i32
    scf.if %cond3A_463 {
      %get3A_464 = arith.constant 0 : index
      %get3A_465 = arith.constant 0 : index
      %get3A_466 = vector.load %arg4[%get3A_464, %get3A_465] : memref<32x128xf32, #tpu.memory_space<vmem>>, vector<32x128xf32>
      %swap3A_467 = arith.constant 0 : index
      %swap3A_468 = arith.constant 0 : index
      %swap3A_469 = vector.load %arg3[%swap3A_467, %swap3A_468] : memref<32x128xf32, #tpu.memory_space<vmem>>, vector<32x128xf32>
      tpu.vector_store %arg3[%swap3A_467, %swap3A_468], %get3A_466 {strides = array<i32>} : memref<32x128xf32, #tpu.memory_space<vmem>>, vector<32x128xf32>,
    } else {
    }
    return
  }
  func.func @transform_0(%arg0: i32) -> (i32, i32) {
    %c0_i32 = arith.constant 0 : i32
    %c0_i32_0 = arith.constant 0 : i32
    return %arg0, %c0_i32 : i32, i32
  }
  func.func @transform_1(%arg0: i32) -> (i32, i32) {
    %c0_i32 = arith.constant 0 : i32
    %c0_i32_0 = arith.constant 0 : i32
    return %arg0, %c0_i32 : i32, i32
  }
  func.func @transform_2(%arg0: i32) -> (i32, i32) {
    %c0_i32 = arith.constant 0 : i32
    %c0_i32_0 = arith.constant 0 : i32
    %c0_i32_1 = arith.constant 0 : i32
    return %c0_i32, %c0_i32_0 : i32, i32
  }
}

</mosaic_0001>

<sc_bundles>
// kernel: kernel.5.cloned.1.call-start
scs
__scs_entry_jumppad:
0x0: {  	(pc) =	sbr.rel $0x88, $3  }
0x1: {  	(tag) =	ssettag $0x0;
	lr =	simm.s32 $0x1  }
0x2: {  	[smem:$0x3F9F] =	sst lr;
	_ =	strace $0xD0000000  }
0x3: {  	_ = 	snop  }
0x4: {  	_ = 	snop  }
0x5: {  	_ = 	snop  }
0x6: {  	_ = 	snop  }
0x7: {  	_ = 	snop  }
__scs_overlays_trampoline_lowered:
0x8: {  	[smem:$0x3FAE] =	sst s0  }
0x9: {  	[smem:$0x3FAF] =	sst s1  }
0xa: {  	[smem:$0x3FB0] =	sst s2  }
0xb: {  	[smem:$0x3FB1] =	sst s3  }
0xc: {  	[smem:$0x3FB2] =	sst s4  }
0xd: {  	[smem:$0x3FB3] =	sst s5  }
0xe: {  	[smem:$0x3FB4] =	sst s6  }
0xf: {  	[smem:$0x3FB5] =	sst s7  }
0x10: {  	[smem:$0x3FB6] =	sst s8  }
0x11: {  	[smem:$0x3FB7] =	sst s9;
	s0 =	simm.s32 @!p0 $0x0  }
0x12: {  	s1 =	sld [smem:$0x3F9D];
	s0 =	simm.s32 @p0 $0x1  }
0x13: {  	[smem:$0x3FB8] =	sst s0;
	s0 =	simm.s32 @!p1 $0x0  }
0x14: {  	s2 =	sld [smem:$0x3F9C];
	s0 =	simm.s32 @p1 $0x1  }
0x15: {  	[smem:$0x3FB9] =	sst s0;
	s0 =	simm.s32 @!p2 $0x0  }
0x16: {  	s3 =	sld [smem:$0x3FDB];
	s0 =	simm.s32 @p2 $0x1  }
0x17: {  	s4 =	simm.s32 $0x1BF5;
	[smem:$0x3FBB] =	sst s0  }
0x18: {  	s0 =	sld [smem:$0x3F9E];
	_ =	swait.ge [sflag:s4], $0x0  }
0x19: {  	s7 =	sld [smem:$0x3F9F]  }
0x1a: {  	s8 =	sadd.s32 $0xFFFFE003, lr  }
0x1b: {  	s9 =	sadd.s32 $0xFFFFFEF7, lr;
	s5 =	simm.s32 $0xFFFFFFFF;
	p2 =	slt.u32 s8, $0xFFFFF086  }
0x1c: {  	p1 =	slt.u32 s9, $0xF7A;
	s5 =	simm.s32 @!p2 $0x0  }
0x1d: {  	s5 =	simm.s32 @p1 $0x1;
	p0 =	seq.s32 s7, s2  }
0x1e: {  	s7 =	smul.u32 @!p0 $0xF7A, s2;
	p2 =	seq.s32 @!p0 s5, $0x0  }
0x1f: {  	s9 =	smul.u32 $0xF7A, s1;
	s8 =	simm.s32 @!p0 $0x1BF5;
	p2 =	por !p2, p0  }
0x20: {  	[sflag:s8] =	ssyncset.s32 @!p0 $0xFFFFF086;
	s6 =	sadd.s32 @!p0 s3, s7;
	s7 =	simm.s32 @!p0 $0x108  }
0x21: {  	s3 =	sadd.s32 s3, s9;
	s6 =	sadd.s32 @!p0 $0x88, s6;
	s7 =	simm.s32 @p2 $0x1082  }
0x22: {  	[simem:s7], [sflag:s8] =	dma.local @!p0 [hbm:s6], $0xF7A  }
0x23: {  	s9 =	sor.u32 $0xD0000000, s2;
	s6 =	simm.s32 $0x108;
	_ =	swait.ge @!p0 [sflag:s8], $0x0  }
0x24: {  	s3 =	sadd.s32 $0x88, s3;
	s6 =	simm.s32 @!p1 $0x1082;
	[sflag:s4] =	ssyncset.s32 $0xFFFFF086  }
0x25: {  	[simem:s6], [sflag:s4] =	dma.local [hbm:s3], $0xF7A  }
0x26: {  	[smem:$0x3F9F] =	sst s1;
	(tag) =	ssettag s2;
	_ =	strace s9  }
0x27: {  	s1 =	sld [smem:$0x3FAF]  }
0x28: {  	s2 =	sld [smem:$0x3FB0]  }
0x29: {  	s4 =	sld [smem:$0x3FB2]  }
0x2a: {  	p0 =	seq.s32 s5, $0x0;
	s5 =	sld [smem:$0x3FB3]  }
0x2b: {  	s6 =	sld [smem:$0x3FB4]  }
0x2c: {  	s7 =	sld [smem:$0x3FB5]  }
0x2d: {  	s3 =	simm.s32 $0x108;
	s8 =	sld [smem:$0x3FB6]  }
0x2e: {  	s3 =	simm.s32 @!p0 $0x1082;
	s9 =	sld [smem:$0x3FB7]  }
0x2f: {  	lr =	sadd.s32 s0, s3;
	s0 =	sld [smem:$0x3FAE]  }
0x30: {  	s3 =	sld [smem:$0x3FB1]  }
0x31: {  	[smem:$0x3FBA] =	sst s10  }
0x32: {  	s10 =	sld [smem:$0x3FB8];
	_ =	sdelay $0x3  }
0x33: {  	p0 =	seq.s32 s10, $0x1;
	s10 =	sld [smem:$0x3FBA];
	_ =	sdelay $0x3  }
0x34: {  	[smem:$0x3FBA] =	sst s10  }
0x35: {  	s10 =	sld [smem:$0x3FB9];
	_ =	sdelay $0x3  }
0x36: {  	p1 =	seq.s32 s10, $0x1;
	s10 =	sld [smem:$0x3FBA];
	_ =	sdelay $0x3  }
0x37: {  	[smem:$0x3FBA] =	sst s10  }
0x38: {  	s10 =	sld [smem:$0x3FBB]  }
0x39: {  	_ = 	snop;
	(pc) =	sbr.ind lr, $3  }
0x3a: {  	_ = 	snop  }
0x3b: {  	_ = 	snop  }
0x3c: {  	p2 =	seq.s32 s10, $0x1;
	s10 =	sld [smem:$0x3FBA]  }
0x3d: {  	_ =	shalt  }
0x3e: {  	_ =	shalt  }
0x3f: {  	_ =	shalt  }
0x40: {  	_ =	shalt  }
0x41: {  	_ =	shalt  }
0x42: {  	_ =	shalt  }
0x43: {  	_ =	shalt  }
0x44: {  	_ =	shalt  }
0x45: {  	_ =	shalt  }
0x46: {  	_ =	shalt  }
0x47: {  	_ =	shalt  }
0x48: {  	_ =	shalt  }
0x49: {  	_ =	shalt  }
0x4a: {  	_ =	shalt  }
0x4b: {  	_ =	shalt  }
0x4c: {  	_ =	shalt  }
0x4d: {  	_ =	shalt  }
0x4e: {  	_ =	shalt  }
0x4f: {  	_ =	shalt  }
0x50: {  	_ =	shalt  }
0x51: {  	_ =	shalt  }
0x52: {  	_ =	shalt  }
0x53: {  	_ =	shalt  }
0x54: {  	_ =	shalt  }
0x55: {  	_ =	shalt  }
0x56: {  	_ =	shalt  }
0x57: {  	_ =	shalt  }
0x58: {  	_ =	shalt  }
0x59: {  	_ =	shalt  }
0x5a: {  	_ =	shalt  }
0x5b: {  	_ =	shalt  }
0x5c: {  	_ =	shalt  }
0x5d: {  	_ =	shalt  }
0x5e: {  	_ =	shalt  }
0x5f: {  	_ =	shalt  }
0x60: {  	_ =	shalt  }
0x61: {  	_ =	shalt  }
0x62: {  	_ =	shalt  }
0x63: {  	_ =	shalt  }
0x64: {  	_ =	shalt  }
0x65: {  	_ =	shalt  }
0x66: {  	_ =	shalt  }
0x67: {  	_ =	shalt  }
0x68: {  	_ =	shalt  }
0x69: {  	_ =	shalt  }
0x6a: {  	_ =	shalt  }
0x6b: {  	_ =	shalt  }
0x6c: {  	_ =	shalt  }
0x6d: {  	_ =	shalt  }
0x6e: {  	_ =	shalt  }
0x6f: {  	_ =	shalt  }
0x70: {  	_ =	shalt  }
0x71: {  	_ =	shalt  }
0x72: {  	_ =	shalt  }
0x73: {  	_ =	shalt  }
0x74: {  	_ =	shalt  }
0x75: {  	_ =	shalt  }
0x76: {  	_ =	shalt  }
0x77: {  	_ =	shalt  }
0x78: {  	_ =	shalt  }
0x79: {  	_ =	shalt  }
0x7a: {  	_ =	shalt  }
0x7b: {  	_ =	shalt  }
0x7c: {  	_ =	shalt  }
0x7d: {  	_ =	shalt  }
0x7e: {  	_ =	shalt  }
0x7f: {  	_ =	shalt  }
0x80: {  	_ =	shalt  }
0x81: {  	_ =	shalt  }
0x82: {  	_ =	shalt  }
0x83: {  	_ =	shalt  }
0x84: {  	_ =	shalt  }
0x85: {  	_ =	shalt  }
0x86: {  	_ =	shalt  }
0x87: {  	_ =	shalt  }
.Lfunc_end0:
.L_simem_size_0:
called_computation_lowered:
.L_overlay_start_0:
0x88: {  	s2 =	sld [smem:$0x3FD9]  }
0x89: {  	s3 =	sld [smem:$0x3FFE];
	_ =	sdelay $0x1  }
0x8a: {  	s1 =	srdreg.scid  }
0x8b: {  	s0 =	sand.u32 $0x1, s1  }
0x8c: {  	s17 =	sshll.u32 s0, $0xA;
	s2 =	sadd.s32 s3, s2  }
0x8d: {  	s2 =	sadd.s32 s2, s17  }
0x8e: {  	[smem:$0x3FC6] =	sst s2  }
0x8f: {  	_ = 	snop  }
0x90: {  	s2 =	sld [smem:$0x3FC9]  }
0x91: {  	s18 =	sld [smem:$0x3FC8];
	(tm) =	ssettm $0x1  }
0x92: {  	s4 =	sld [smem:$0x3FFB];
	_ =	sdelay $0x3  }
0x93: {  	_ =	strace s4  }
0x94: {  	s4 =	sld [smem:$0x3FFC];
	_ =	sdelay $0x3  }
0x95: {  	_ =	strace s4  }
0x96: {  	s4 =	sld [smem:$0x3FFD];
	_ =	sdelay $0x3  }
0x97: {  	_ =	strace s4  }
0x98: {  	_ =	strace $0x8FFFFFFF  }
0x99: {  	s19 =	sld [smem:$0x3FDB];
	_ =	sdelay $0x1  }
0x9a: {  	s5 =	simm.s32 $_scs_section_size  }
0x9b: {  	s6 =	simm.s32 $_size__tile_overlayer_lowered;
	s7 =	simm.s32 $_tile_overlayer_lowered  }
0x9c: {  	s22 =	simm.s32 $0x1BFF;
	s21 =	sshll.u32 s7, $0x1;
	s4 =	sadd.s32 s5, s19  }
0x9d: {  	s8 =	simm.s32 $0x0;
	s20 =	sshll.u32 s6, $0x1;
	s6 =	sadd.s32 s21, s4  }
0x9e: {  	[timem:s8], [sflag:s22] =	dma.local [hbm:s6], s20  }
0x9f: {  	_ =	swait.ge [sflag:s22], s20  }
0xa0: {  	s5 =	ssub.s32 $0x0, s20;
	[sflag:s22] =	ssyncset.done $0x0  }
0xa1: {  	[sflag:s22] =	ssyncadd.s32 s5;
	_ =	sdelay $0x1  }
0xa2: {  	s23 =	simm.s32 $0x1B8B  }
0xa3: {  	_ =	swait.ge [sflag:s23], $0x1  }
0xa4: {  	[sflag:s23] =	ssyncset.done $0x0  }
0xa5: {  	s25 =	simm.s32 $0x1B8E;
	s24 =	sld [smem:$0x3FFE];
	[sflag:s23] =	ssyncadd.s32 $0xFFFFFFFF  }
0xa6: {  	s26 =	simm.s32 $execute0_lowered;
	[smem:$0x3FD2] =	sst s25  }
0xa7: {  	s6 =	sshll.u32 s26, $0x1;
	_ =	strace $0x80000046;
	[dreg:$0x1] =	wrdreg $0xFFFFFFFF  }
0xa8: {  	s28 =	simm.s32 $_size_execute0_lowered;
	s4 =	sadd.s32 s4, s6;
	[dreg:$0x0] =	wrdreg $0x0  }
0xa9: {  	s6 =	sshll.u32 s28, $0x1;
	[dreg:$0x2] =	wrdreg s4  }
0xaa: {  	[dreg:$0x3] =	wrdreg s6  }
0xab: {  	[dreg:$0x4] =	wrdreg $0xC0  }
0xac: {  	_ =	task [dreg:s8], $0x5FFFF  }
0xad: {  	[dreg:$0x1] =	wrdreg $0xFFFFFFFF  }
0xae: {  	[dreg:$0x0] =	wrdreg $0x60  }
0xaf: {  	[dreg:$0x2] =	wrdreg s2  }
0xb0: {  	[dreg:$0x3] =	wrdreg s18  }
0xb1: {  	[dreg:$0x4] =	wrdreg s24  }
0xb2: {  	[dreg:$0x5] =	wrdreg $0x9  }
0xb3: {  	_ =	task.clear_ibuf [dreg:s8], $0x6FFFF;
	_ =	strace $0x90000046  }
0xb4: {  	s29 =	simm.s32 $0x9;
	_ =	strace $0x8000004E  }
0xb5: {  	_ =	swait.ge [sflag:s29], $0x1  }
0xb6: {  	[sflag:s29] =	ssyncadd.s32 $0xFFFFFFFF  }
0xb7: {  	_ =	strace $0x9000004E  }
0xb8: {  	_ =	sfence  }
0xb9: {  	s30 =	sld [smem:$0x0];
	_ =	sdelay $0x2  }
0xba: {  	s31 =	sshll.u32 s1, $0xD;
	s1 =	sshrl.u32 s1, $0x2  }
0xbb: {  	s3 =	sand.u32 $0x4000, s31;
	s1 =	sadd.s32 s1, s30  }
0xbc: {  	s0 =	sor.u32 s3, s0;
	s1 =	sshll.u32 s1, $0x11  }
0xbd: {  	s0 =	sor.u32 s1, s0  }
0xbe: {  	s0 =	sadd.s32 $0x8F2B, s0  }
0xbf: {  	[sflag:s0] =	ssyncadd.remote.s32 $0x1  }
0xc0: {  	_ =	sfence.sel $0xFFFF  }
0xc1: {  	[dreg:$0x0] =	wrdreg $0xFFFFFFFF;
	(pc) =	sbr.abs _section_cstart, $3  }
0xc2: {  	[dreg:$0x1] =	wrdreg $0xFFFFFFFF  }
0xc3: {  	_ =	task.clear_ibuf [dreg:s8], $0x2FFFF;
	_ =	strace $0x9FFFFFFF  }
0xc4: {  	(tm) =	ssettm $0x7FFFFFFF  }
0xc5: {  	_ =	shalt  }
tec
execute0_lowered:
.L_overlay_start_1:
0x0: {  	(tag) =	ssettag $0x1  }
0x1: {  	s0 =	rddreg [dreg:$0x0]  }
0x2: {  	s1 =	srdreg.scid;
	s3 =	rddreg [dreg:$0x1]  }
0x3: {  	s6 =	rddreg [dreg:$0x2];
	s2 =	stileid.u32  }
0x4: {  	s4 =	simm.s32 $0x0;
	s11 =	simm.s32 $0x1000;
	s12 =	simm.s32 $0x9000  }
0x5: {  	s13 =	simm.s32 $0x800;
	s14 =	simm.s32 $0x1;
	s5 =	sand.u32 $0x1, s1  }
0x6: {  	s15 =	simm.s32 $0x0;
	s1 =	rddreg [dreg:$0x3];
	s7 =	sshll.u32 s5, $0x4  }
0x7: {  	[smem:$0x7FF] =	sst s4;
	s5 =	ssub.s32 $0x2, s5;
	s7 =	sor.u32 s2, s7  }
0x8: {  	_ =	strace $0x80000047;
	s31 =	sshrl.u32 s5, $0x1;
	s8 =	smul.u32 $0x50000, s7  }
0x9: {  	s9 =	sshll.u32 s7, $0x8;
	s7 =	smul.u32 $0x14, s7;
	s10 =	ssub.s32 s5, s31  }
0xa: {  	s9 =	sadd.s32 s9, s6;
	s10 =	smax.u32 s10, $0x1;
	s30 =	sshrl.u32 s8, $0x3  }
0xb: {  	s7 =	sadd.s32 $0x180, s7;
	s8 =	sadd.s32 $0x600, s9;
	s6 =	sadd.s32 $0xC0000, s30  }
0xc: {  	v0 =	vimm.f32 $0.0e+00;
	v1 =	vlaneseq.u32;
	v2 =	vimm.f32 $1.000000000e+00;
	s9 =	sadd.s32 $0x2600, s9;
	s5 =	sadd.s32 s0, s6;
	s6 =	sadd.s32 s3, s6  }
.LBB2_1:
0xd: {  	[tilespmem:$0x0] =	vst v0  }
0xe: {  	[tilespmem:$0x800] =	vst v0  }
0xf: {  	[tilespmem:$0x80] =	vst v0  }
0x10: {  	[tilespmem:$0x880] =	vst v0  }
0x11: {  	[tilespmem:$0x100] =	vst v0  }
0x12: {  	[tilespmem:$0x900] =	vst v0  }
0x13: {  	[tilespmem:$0x180] =	vst v0  }
0x14: {  	[tilespmem:$0x980] =	vst v0  }
0x15: {  	[tilespmem:$0x200] =	vst v0  }
0x16: {  	[tilespmem:$0xA00] =	vst v0  }
0x17: {  	[tilespmem:$0x280] =	vst v0  }
0x18: {  	[tilespmem:$0xA80] =	vst v0  }
0x19: {  	[tilespmem:$0x300] =	vst v0  }
0x1a: {  	[tilespmem:$0xB00] =	vst v0  }
0x1b: {  	[tilespmem:$0x380] =	vst v0  }
0x1c: {  	[tilespmem:$0xB80] =	vst v0  }
0x1d: {  	[tilespmem:$0x400] =	vst v0  }
0x1e: {  	[tilespmem:$0xC00] =	vst v0  }
0x1f: {  	[tilespmem:$0x480] =	vst v0  }
0x20: {  	[tilespmem:$0xC80] =	vst v0  }
0x21: {  	[tilespmem:$0x500] =	vst v0  }
0x22: {  	[tilespmem:$0xD00] =	vst v0  }
0x23: {  	[tilespmem:$0x580] =	vst v0  }
0x24: {  	[tilespmem:$0xD80] =	vst v0  }
0x25: {  	[tilespmem:$0x600] =	vst v0  }
0x26: {  	[tilespmem:$0xE00] =	vst v0  }
0x27: {  	[tilespmem:$0x680] =	vst v0  }
0x28: {  	[tilespmem:$0xE80] =	vst v0  }
0x29: {  	[tilespmem:$0x700] =	vst v0  }
0x2a: {  	[tilespmem:$0xF00] =	vst v0  }
0x2b: {  	[tilespmem:$0x780] =	vst v0  }
0x2c: {  	[tilespmem:$0xF80] =	vst v0  }
0x2d: {  	s22 =	simm.s32 $0x0;
	_ =	strace $0x80000048  }
0x2e: {  	[tilespmem:s11], [sflag:$0x1] =	stream.linear.gather [hbm4b:s5+s4], $0x4000, $0x200038;
	[tilespmem:$0x11000] =	vst v63  }
0x2f: {  	s16 =	simm.s32 $0x0;
	s17 =	simm.s32 $0x1;
	s18 =	simm.s32 $0x0  }
0x30: {  	[tilespmem:s12], [sflag:$0x3] =	stream.linear.gather [hbm4b:s6+s4], $0x4000, $0x200038;
	[tilespmem:$0x11000] =	vst v63  }
0x31: {  	s19 =	simm.s32 $0x1;
	s20 =	simm.s32 $0x0;
	_ =	strace $0x90000048  }
.LBB2_2:
0x32: {  	s21 =	sadd.s32 $0x1, s22  }
0x33: {  	p0 =	seq.s32 s21, $0x14  }
0x34: {  	s21 =	simm.s32 @p0 $0x0;
	p0 =	seq.s32 s20, $0x13  }
0x35: {  	p1 =	seq.s32 @!p0 s22, s21  }
0x36: {  	p2 =	por p1, p0  }
0x37: {  	s23 =	sadd.s32 @!p2 s21, s7  }
0x38: {  	s24 =	sand.u32 @!p2 $0x1, s19;
	_ =	strace @!p2 $0x80000049;
	s23 =	sshll.u32 @!p2 s23, $0xB  }
0x39: {  	s29 =	simm.s32 @!p2 $0x0;
	s25 =	sshll.u32 @!p2 s24, $0xE;
	s23 =	sand.u32 @!p2 $0x1FFFF800, s23  }
0x3a: {  	s24 =	sadd.s32 @!p2 $0x1, s24;
	s25 =	sor.u32 @!p2 $0x1000, s25;
	s28 =	sadd.s32 @!p2 s0, s23  }
0x3b: {  	[tilespmem:s25], [sflag:s24] =	stream.linear.gather @!p2 [hbm4b:s28+s29], $0x4000, $0x200038;
	[tilespmem:$0x11000] =	vst v63  }
0x3c: {  	s24 =	sand.u32 @!p2 $0x1, s17  }
0x3d: {  	s23 =	sadd.s32 @!p2 s3, s23;
	_ =	strace @!p2 $0x90000049;
	s25 =	sshll.u32 @!p2 s24, $0xE  }
0x3e: {  	s24 =	sadd.s32 @!p2 $0x3, s24;
	_ =	strace @!p2 $0x8000004A;
	s25 =	sor.u32 @!p2 $0x9000, s25  }
0x3f: {  	[tilespmem:s25], [sflag:s24] =	stream.linear.gather @!p2 [hbm4b:s23+s29], $0x4000, $0x200038;
	[tilespmem:$0x11000] =	vst v63  }
0x40: {  	s24 =	sand.u32 $0x1, s18;
	_ =	strace @!p2 $0x9000004A  }
0x41: {  	s29 =	sadd.s32 $0x1, s24;
	_ =	strace $0x8000004B  }
0x42: {  	_ =	swait.ge [sflag:s29], $0x4000  }
0x43: {  	[sflag:s29] =	ssyncset.done $0x0  }
0x44: {  	[sflag:s29] =	ssyncadd.s32 $0xFFFFC000  }
0x45: {  	s30 =	sand.u32 $0x1, s16;
	_ =	strace $0x9000004B  }
0x46: {  	s31 =	sadd.s32 $0x3, s30;
	_ =	strace $0x8000004C  }
0x47: {  	_ =	swait.ge [sflag:s31], $0x4000  }
0x48: {  	[sflag:s31] =	ssyncset.done $0x0  }
0x49: {  	[sflag:s31] =	ssyncadd.s32 $0xFFFFC000  }
0x4a: {  	s23 =	sshll.u32 s30, $0xE;
	_ =	strace $0x9000004C  }
0x4b: {  	s23 =	sor.u32 $0x9080, s23;
	s24 =	sshll.u32 s24, $0xE;
	_ =	strace $0x8000004D  }
0x4c: {  	s24 =	sor.u32 $0x1080, s24;
	v3 =	vld [tilespmem:s23+$0x70]  }
0x4d: {  	v12 =	vld [tilespmem:s24+$0xFFFFFF80]  }
0x4e: {  	v4 =	vld [tilespmem:s24+$0x70]  }
0x4f: {  	v8 =	vld [tilespmem:s24+$0x60]  }
0x50: {  	v10 =	vld [tilespmem:s23+$0x60]  }
0x51: {  	v7 =	vld [tilespmem:s24+$0x40]  }
0x52: {  	v20 =	vld [tilespmem:s24+$0x10]  }
0x53: {  	v21 =	vld [tilespmem:s24+$0x0]  }
0x54: {  	v9 =	vld [tilespmem:s24+$0x50]  }
0x55: {  	v5 =	vmul.f32 $1.500000000e+01, v12  }
0x56: {  	v13 =	vmul.f32 $1.500000000e+01, v4;
	v16 =	vsub.f32 v4, v3;
	v3 =	vmul.f32 $1.500000000e+01, v8  }
0x57: {  	v6 =	vld [tilespmem:s23+$0x50];
	v19 =	vsub.f32 v8, v10;
	v10 =	vmul.f32 $1.500000000e+01, v7;
	v26 =	vmul.f32 $1.500000000e+01, v20  }
0x58: {  	v29 =	vmul.f32 $1.500000000e+01, v21;
	v14 =	vtrunc.f32 v5  }
0x59: {  	v11 =	vld [tilespmem:s23+$0xFFFFFFE0];
	v4 =	vtrunc.f32 v13;
	v13 =	vmul.f32 $1.500000000e+01, v9  }
0x5a: {  	v15 =	vld [tilespmem:s23+$0xFFFFFFF0];
	v3 =	vtrunc.f32 v3;
	v24 =	vtrunc.f32 v10  }
0x5b: {  	v5 =	vld [tilespmem:s24+$0x30];
	v29 =	vtrunc.f32 v29;
	v4 =	vcvt.f32.s32 v4  }
0x5c: {  	v18 =	vsub.f32 v9, v6;
	v6 =	vcvt.f32.s32 v14;
	v14 =	vld [tilespmem:s24+$0x20];
	v9 =	vcvt.f32.s32 v3  }
0x5d: {  	v22 =	vld [tilespmem:s24+$0xFFFFFFE0];
	v24 =	vcvt.f32.s32 v24;
	v8 =	vtrunc.f32 v13;
	vm0 =	vgt.s32 v4, $0x0  }
0x5e: {  	v25 =	vld [tilespmem:s23+$0xFFFFFFB0];
	vm1 =	vgt.s32 v6, $0x0;
	v8 =	vcvt.f32.s32 v8;
	v3 =	vnsel vm0, $0x0, v4  }
0x5f: {  	v4 =	vld [tilespmem:s24+$0xFFFFFFF0];
	vm0 =	vgt.s32 v9, $0x0;
	v17 =	vnsel vm1, $0x0, v6;
	v13 =	vmin.u32 v3, $0xF  }
0x60: {  	v28 =	vld [tilespmem:s24+$0xFFFFFFB0];
	v6 =	vmul.f32 $1.500000000e+01, v5;
	vm1 =	vgt.s32 v8, $0x0;
	v10 =	vnsel vm0, $0x0, v9  }
0x61: {  	v3 =	vld [tilespmem:s24+$0xFFFFFFD0];
	v17 =	vmin.u32 v17, $0xF;
	v23 =	vmul.f32 $1.500000000e+01, v14;
	v8 =	vnsel vm1, $0x0, v8  }
0x62: {  	v31 =	vld [tilespmem:s24+$0xFFFFFFC0];
	vm1 =	vgt.s32 v24, $0x0;
	v27 =	vtrunc.f32 v6;
	v6 =	vshll.u32 v13, $0x7  }
0x63: {  	v9 =	vld [tilespmem:s24+$0xFFFFFFA0];
	v24 =	vnsel vm1, $0x0, v24;
	v13 =	vtrunc.f32 v23;
	v23 =	vor.u32 v1, v6  }
0x64: {  	v32 =	vld [tilespmem:s24+$0xFFFFFF90];
	v6 =	vsub.f32 v22, v11;
	v30 =	vmul.f32 $1.500000000e+01, v4;
	v4 =	vsub.f32 v4, v15  }
0x65: {  	v62 =	vld [tilespmem:s23+$0x10];
	v11 =	vcvt.f32.s32 v13;
	v15 =	vmin.u32 v8, $0xF;
	v8 =	vmin.u32 v10, $0xF  }
0x66: {  	v37 =	vld [tilespmem:s23+$0xFFFFFF90];
	v27 =	vcvt.f32.s32 v27;
	v33 =	vmul.f32 $1.500000000e+01, v3;
	v34 =	vshll.u32 v8, $0x7  }
0x67: {  	v41 =	vld [tilespmem:s23+$0xFFFFFFC0];
	v8 =	vsub.f32 v28, v25;
	v10 =	vshll.u32 v15, $0x7;
	vm0 =	vgt.s32 v11, $0x0  }
0x68: {  	v15 =	vmul.f32 $1.500000000e+01, v9;
	v25 =	vtrunc.f32 v26;
	v26 =	vld [tilespmem:s23+$0x0];
	v11 =	vnsel vm0, $0x0, v11  }
0x69: {  	v35 =	vor.u32 v1, v10;
	v34 =	vor.u32 v1, v34;
	[tilespmem:v23+s4+$0x0] =	vst.idx.add.f32.msk $0xffff, v2;
	v11 =	vmin.u32 v11, $0xF  }
0x6a: {  	[tilespmem:v23+s13+$0x0] =	vst.idx.add.f32.msk $0xffff, v16;
	v23 =	vshll.u32 v17, $0x7;
	v17 =	vcvt.f32.s32 v25;
	v25 =	vmul.f32 $1.500000000e+01, v32  }
0x6b: {  	v13 =	vtrunc.f32 v30;
	v10 =	vld [tilespmem:s23+$0xFFFFFFD0];
	v33 =	vtrunc.f32 v33;
	v11 =	vshll.u32 v11, $0x7  }
0x6c: {  	v40 =	vtrunc.f32 v15;
	v16 =	vld [tilespmem:s23+$0xFFFFFF80];
	v36 =	vor.u32 v1, v11;
	v11 =	vtrunc.f32 v25  }
0x6d: {  	v23 =	vor.u32 v1, v23;
	vm0 =	vgt.s32 v17, $0x0;
	v25 =	vld [tilespmem:s23+$0x20];
	v38 =	vcvt.f32.s32 v11  }
0x6e: {  	v15 =	vsub.f32 v20, v62;
	[tilespmem:v35+s4+$0x0] =	vst.idx.add.f32.msk $0xffff, v2;
	v39 =	vnsel vm0, $0x0, v17;
	v17 =	vmul.f32 $1.500000000e+01, v31  }
0x6f: {  	[tilespmem:v34+s4+$0x0] =	vst.idx.add.f32.msk $0xffff, v2;
	v11 =	vsub.f32 v21, v26;
	v21 =	vcvt.f32.s32 v40;
	vm0 =	vgt.s32 v38, $0x0  }
0x70: {  	[tilespmem:v34+s13+$0x0] =	vst.idx.add.f32.msk $0xffff, v19;
	v19 =	vmul.f32 $1.500000000e+01, v22;
	v26 =	vmin.u32 v39, $0xF;
	v20 =	vnsel vm0, $0x0, v38  }
0x71: {  	[tilespmem:v35+s13+$0x0] =	vst.idx.add.f32.msk $0xffff, v18;
	v16 =	vsub.f32 v12, v16;
	v22 =	vshll.u32 v26, $0x7;
	v12 =	vmin.u32 v20, $0xF  }
0x72: {  	vm0 =	vgt.s32 v27, $0x0;
	[tilespmem:v23+s4+$0x0] =	vst.idx.add.f32.msk $0xffff, v2;
	v63 =	vsub.f32 v14, v25;
	v18 =	vshll.u32 v12, $0x7  }
0x73: {  	p1 =	por !p1, p0;
	s28 =	sadd.s32 @!p2 $0x1, s19;
	[tilespmem:v36+s4+$0x0] =	vst.idx.add.f32.msk $0xffff, v2;
	v25 =	vmul.f32 $1.500000000e+01, v28;
	v26 =	vnsel vm0, $0x0, v27;
	v20 =	vor.u32 v1, v18  }
0x74: {  	s26 =	smov.u32 s19;
	s19 =	smov.u32 @p1 s28;
	s25 =	simm.s32 $0x0;
	vm0 =	vgt.s32 v21, $0x0;
	v27 =	vtrunc.f32 v19;
	[tilespmem:v23+s13+$0x0] =	vst.idx.add.f32.msk $0xffff, v16;
	v23 =	vsub.f32 v32, v37  }
0x75: {  	s19 =	smov.u32 @p0 s26;
	s25 =	simm.s32 @p1 $0x1;
	v14 =	vld [tilespmem:s23+$0xFFFFFFA0];
	v16 =	vcvt.f32.s32 v29;
	v19 =	vor.u32 v1, v22;
	v12 =	vsub.f32 v31, v41  }
0x76: {  	s26 =	simm.s32 $0x0;
	s25 =	simm.s32 @p0 $0x0;
	s28 =	smov.u32 s23;
	v22 =	vcvt.f32.s32 v27;
	v26 =	vmin.u32 v26, $0xF;
	v18 =	vcvt.f32.s32 v33;
	[tilespmem:v36+s13+$0x0] =	vst.idx.add.f32.msk $0xffff, v63  }
.LBB2_3:
0x77: {  	s26 =	sadd.s32 $0x100, s26;
	v21 =	vnsel vm0, $0x0, v21;
	v25 =	vtrunc.f32 v25;
	v13 =	vcvt.f32.s32 v13;
	v27 =	vld [tilespmem:s23+$0x40];
	s28 =	sadd.s32 $0x100, s28;
	s24 =	sadd.s32 $0x100, s24  }
0x78: {  	v17 =	vtrunc.f32 v17;
	v24 =	vmin.u32 v24, $0xF;
	p1 =	slt.u32 s26, $0x3F00;
	[tilespmem:v20+s4+$0x0] =	vst.idx.add.f32.msk $0xffff, v2;
	v21 =	vmin.u32 v21, $0xF  }
0x79: {  	[tilespmem:v20+s13+$0x0] =	vst.idx.add.f32.msk $0xffff, v23;
	v20 =	vshll.u32 v21, $0x7;
	v21 =	vshll.u32 v26, $0x7;
	v23 =	vshll.u32 v24, $0x7  }
0x7a: {  	v24 =	vcvt.f32.s32 v25;
	v25 =	vld [tilespmem:s23+$0x30];
	v21 =	vor.u32 v1, v21;
	v23 =	vor.u32 v1, v23;
	s23 =	smov.u32 s28  }
0x7b: {  	vm0 =	vgt.s32 v22, $0x0;
	vm1 =	vgt.s32 v13, $0x0;
	v20 =	vor.u32 v1, v20;
	v26 =	vld [tilespmem:s28+$0x70]  }
0x7c: {  	v22 =	vnsel vm0, $0x0, v22;
	vm2 =	vgt.s32 v24, $0x0;
	v28 =	vld [tilespmem:s28+$0x60];
	v7 =	vsub.f32 v7, v27  }
0x7d: {  	v17 =	vcvt.f32.s32 v17;
	v22 =	vmin.u32 v22, $0xF;
	v13 =	vnsel vm1, $0x0, v13;
	[tilespmem:v19+s4+$0x0] =	vst.idx.add.f32.msk $0xffff, v2  }
0x7e: {  	vm0 =	vgt.s32 v18, $0x0;
	v13 =	vmin.u32 v13, $0xF;
	v24 =	vnsel vm2, $0x0, v24;
	[tilespmem:v19+s13+$0x0] =	vst.idx.add.f32.msk $0xffff, v15  }
0x7f: {  	vm1 =	vgt.s32 v17, $0x0;
	v15 =	vmin.u32 v24, $0xF;
	v19 =	vshll.u32 v22, $0x7;
	[tilespmem:v23+s4+$0x0] =	vst.idx.add.f32.msk $0xffff, v2  }
0x80: {  	v17 =	vnsel vm1, $0x0, v17;
	v15 =	vshll.u32 v15, $0x7;
	v5 =	vsub.f32 v5, v25;
	[tilespmem:v23+s13+$0x0] =	vst.idx.add.f32.msk $0xffff, v7  }
0x81: {  	v7 =	vor.u32 v1, v15;
	v15 =	vmin.u32 v17, $0xF;
	v17 =	vnsel vm0, $0x0, v18;
	[tilespmem:v21+s4+$0x0] =	vst.idx.add.f32.msk $0xffff, v2  }
0x82: {  	v18 =	vor.u32 v1, v19;
	v15 =	vshll.u32 v15, $0x7;
	v17 =	vmin.u32 v17, $0xF;
	[tilespmem:v21+s13+$0x0] =	vst.idx.add.f32.msk $0xffff, v5  }
0x83: {  	v13 =	vshll.u32 v13, $0x7;
	v5 =	vsub.f32 v9, v14;
	v9 =	vor.u32 v1, v15;
	[tilespmem:v20+s4+$0x0] =	vst.idx.add.f32.msk $0xffff, v2  }
0x84: {  	v13 =	vor.u32 v1, v13;
	vm0 =	vgt.s32 v16, $0x0;
	v15 =	vshll.u32 v17, $0x7;
	v14 =	vld [tilespmem:s24+$0xFFFFFF80]  }
0x85: {  	[tilespmem:v20+s13+$0x0] =	vst.idx.add.f32.msk $0xffff, v5;
	v5 =	vnsel vm0, $0x0, v16  }
0x86: {  	v15 =	vor.u32 v1, v15;
	[tilespmem:v7+s4+$0x0] =	vst.idx.add.f32.msk $0xffff, v2;
	v5 =	vmin.u32 v5, $0xF  }
0x87: {  	[tilespmem:v18+s4+$0x0] =	vst.idx.add.f32.msk $0xffff, v2;
	v5 =	vshll.u32 v5, $0x7  }
0x88: {  	[tilespmem:v9+s4+$0x0] =	vst.idx.add.f32.msk $0xffff, v2;
	v5 =	vor.u32 v1, v5  }
0x89: {  	[tilespmem:v13+s4+$0x0] =	vst.idx.add.f32.msk $0xffff, v2  }
0x8a: {  	v3 =	vsub.f32 v3, v10;
	[tilespmem:v18+s13+$0x0] =	vst.idx.add.f32.msk $0xffff, v6  }
0x8b: {  	[tilespmem:v15+s4+$0x0] =	vst.idx.add.f32.msk $0xffff, v2  }
0x8c: {  	[tilespmem:v15+s13+$0x0] =	vst.idx.add.f32.msk $0xffff, v3  }
0x8d: {  	[tilespmem:v5+s4+$0x0] =	vst.idx.add.f32.msk $0xffff, v2  }
0x8e: {  	[tilespmem:v7+s13+$0x0] =	vst.idx.add.f32.msk $0xffff, v8  }
0x8f: {  	[tilespmem:v5+s13+$0x0] =	vst.idx.add.f32.msk $0xffff, v11  }
0x90: {  	[tilespmem:v13+s13+$0x0] =	vst.idx.add.f32.msk $0xffff, v4  }
0x91: {  	[tilespmem:v9+s13+$0x0] =	vst.idx.add.f32.msk $0xffff, v12  }
0x92: {  	v3 =	vld [tilespmem:s24+$0x70]  }
0x93: {  	v4 =	vld [tilespmem:s28+$0x50]  }
0x94: {  	v6 =	vld [tilespmem:s24+$0x60]  }
0x95: {  	v8 =	vld [tilespmem:s24+$0x50]  }
0x96: {  	v5 =	vmul.f32 $1.500000000e+01, v14;
	v10 =	vld [tilespmem:s28+$0xFFFFFFB0]  }
0x97: {  	v11 =	vld [tilespmem:s28+$0xFFFFFFE0];
	v9 =	vmul.f32 $1.500000000e+01, v3;
	v12 =	vsub.f32 v3, v26  }
0x98: {  	v3 =	vtrunc.f32 v5;
	v13 =	vld [tilespmem:s28+$0xFFFFFFF0]  }
0x99: {  	v7 =	vld [tilespmem:s24+$0x40];
	v15 =	vmul.f32 $1.500000000e+01, v6;
	v9 =	vtrunc.f32 v9  }
0x9a: {  	v5 =	vld [tilespmem:s24+$0x30];
	v16 =	vmul.f32 $1.500000000e+01, v8;
	v18 =	vsub.f32 v8, v4;
	v4 =	vcvt.f32.s32 v9  }
0x9b: {  	v3 =	vcvt.f32.s32 v3;
	v20 =	vsub.f32 v6, v28;
	v19 =	vld [tilespmem:s24+$0x20];
	v8 =	vtrunc.f32 v15  }
0x9c: {  	v15 =	vld [tilespmem:s24+$0x10];
	v6 =	vtrunc.f32 v16;
	v8 =	vcvt.f32.s32 v8;
	vm0 =	vgt.s32 v4, $0x0  }
0x9d: {  	vm1 =	vgt.s32 v3, $0x0;
	v16 =	vld [tilespmem:s24+$0x0];
	v6 =	vcvt.f32.s32 v6;
	v4 =	vnsel vm0, $0x0, v4  }
0x9e: {  	v17 =	vld [tilespmem:s24+$0xFFFFFFF0];
	v9 =	vmul.f32 $1.500000000e+01, v7;
	vm0 =	vgt.s32 v8, $0x0;
	v4 =	vmin.u32 v4, $0xF  }
0x9f: {  	v21 =	vnsel vm1, $0x0, v3;
	v22 =	vld [tilespmem:s24+$0xFFFFFFE0];
	v23 =	vmul.f32 $1.500000000e+01, v5;
	vm1 =	vgt.s32 v6, $0x0  }
0xa0: {  	v8 =	vnsel vm0, $0x0, v8;
	v3 =	vld [tilespmem:s24+$0xFFFFFFD0];
	v24 =	vmul.f32 $1.500000000e+01, v19;
	v25 =	vtrunc.f32 v9  }
0xa1: {  	v4 =	vshll.u32 v4, $0x7;
	v26 =	vld [tilespmem:s24+$0xFFFFFFC0];
	v27 =	vmul.f32 $1.500000000e+01, v15;
	v23 =	vtrunc.f32 v23  }
0xa2: {  	v30 =	vor.u32 v1, v4;
	v28 =	vld [tilespmem:s24+$0xFFFFFFB0];
	v29 =	vmul.f32 $1.500000000e+01, v16;
	v24 =	vtrunc.f32 v24  }
0xa3: {  	v9 =	vld [tilespmem:s24+$0xFFFFFFA0];
	v31 =	vmul.f32 $1.500000000e+01, v17;
	v4 =	vsub.f32 v17, v13;
	v13 =	vnsel vm1, $0x0, v6  }
0xa4: {  	v32 =	vld [tilespmem:s24+$0xFFFFFF90];
	v6 =	vsub.f32 v22, v11;
	v11 =	vcvt.f32.s32 v24;
	v17 =	vmin.u32 v13, $0xF  }
0xa5: {  	v21 =	vmin.u32 v21, $0xF;
	v8 =	vmin.u32 v8, $0xF;
	v24 =	vmul.f32 $1.500000000e+01, v3  }
0xa6: {  	v33 =	vshll.u32 v8, $0x7;
	v13 =	vtrunc.f32 v31;
	v31 =	vld [tilespmem:s28+$0x10];
	vm0 =	vgt.s32 v11, $0x0  }
0xa7: {  	v8 =	vsub.f32 v28, v10;
	v34 =	vtrunc.f32 v24;
	v10 =	vshll.u32 v17, $0x7;
	[tilespmem:v30+s4+$0x0] =	vst.idx.add.f32.msk $0xffff, v2  }
0xa8: {  	v24 =	vtrunc.f32 v27;
	v11 =	vnsel vm0, $0x0, v11;
	v17 =	vmul.f32 $1.500000000e+01, v9;
	[tilespmem:v30+s13+$0x0] =	vst.idx.add.f32.msk $0xffff, v12  }
0xa9: {  	v21 =	vshll.u32 v21, $0x7;
	v24 =	vcvt.f32.s32 v24;
	v11 =	vmin.u32 v11, $0xF;
	v12 =	vld [tilespmem:s28+$0xFFFFFF80]  }
0xaa: {  	v35 =	vor.u32 v1, v10;
	v27 =	vmul.f32 $1.500000000e+01, v32;
	v11 =	vshll.u32 v11, $0x7;
	v30 =	vld [tilespmem:s28+$0x0]  }
0xab: {  	v23 =	vcvt.f32.s32 v23;
	v33 =	vor.u32 v1, v33;
	v36 =	vor.u32 v1, v11;
	v10 =	vld [tilespmem:s28+$0xFFFFFFD0]  }
0xac: {  	v37 =	vcvt.f32.s32 v25;
	vm0 =	vgt.s32 v24, $0x0;
	v11 =	vtrunc.f32 v27;
	v27 =	vld [tilespmem:s28+$0x20]  }
0xad: {  	v29 =	vtrunc.f32 v29;
	v24 =	vnsel vm0, $0x0, v24;
	v25 =	vcvt.f32.s32 v11;
	v38 =	vld [tilespmem:s28+$0xFFFFFF90]  }
0xae: {  	v39 =	vtrunc.f32 v17;
	v17 =	vmul.f32 $1.500000000e+01, v26;
	v15 =	vsub.f32 v15, v31;
	v40 =	vld [tilespmem:s28+$0xFFFFFFC0]  }
0xaf: {  	v31 =	vor.u32 v1, v21;
	vm0 =	vgt.s32 v25, $0x0;
	v11 =	vsub.f32 v16, v30;
	[tilespmem:v35+s4+$0x0] =	vst.idx.add.f32.msk $0xffff, v2  }
0xb0: {  	vm1 =	vgt.s32 v37, $0x0;
	v24 =	vmin.u32 v24, $0xF;
	v16 =	vnsel vm0, $0x0, v25;
	[tilespmem:v33+s4+$0x0] =	vst.idx.add.f32.msk $0xffff, v2  }
0xb1: {  	v21 =	vcvt.f32.s32 v39;
	v30 =	vsub.f32 v14, v12;
	v27 =	vsub.f32 v19, v27;
	[tilespmem:v33+s13+$0x0] =	vst.idx.add.f32.msk $0xffff, v20  }
0xb2: {  	v12 =	vmin.u32 v16, $0xF;
	v16 =	vmul.f32 $1.500000000e+01, v22;
	v19 =	vshll.u32 v24, $0x7;
	[tilespmem:v35+s13+$0x0] =	vst.idx.add.f32.msk $0xffff, v18  }
.Ltmp0:
0xb3: {  	vm0 =	vgt.s32 v23, $0x0;
	v18 =	vshll.u32 v12, $0x7;
	v14 =	vld [tilespmem:s28+$0xFFFFFFA0];
	v12 =	vsub.f32 v26, v40;
	(pc) =	sbr.rel @p1 .LBB2_3-.Ltmp0, $4  }
0xb4: {  	v25 =	vmul.f32 $1.500000000e+01, v28;
	v20 =	vor.u32 v1, v18;
	v26 =	vnsel vm0, $0x0, v23;
	[tilespmem:v31+s4+$0x0] =	vst.idx.add.f32.msk $0xffff, v2  }
0xb5: {  	v24 =	vnsel vm1, $0x0, v37;
	v22 =	vtrunc.f32 v16;
	vm0 =	vgt.s32 v21, $0x0;
	[tilespmem:v36+s4+$0x0] =	vst.idx.add.f32.msk $0xffff, v2  }
0xb6: {  	v16 =	vcvt.f32.s32 v29;
	v19 =	vor.u32 v1, v19;
	v23 =	vsub.f32 v32, v38;
	[tilespmem:v31+s13+$0x0] =	vst.idx.add.f32.msk $0xffff, v30  }
0xb7: {  	v18 =	vcvt.f32.s32 v34;
	v22 =	vcvt.f32.s32 v22;
	v26 =	vmin.u32 v26, $0xF;
	[tilespmem:v36+s13+$0x0] =	vst.idx.add.f32.msk $0xffff, v27  }
0xb8: {  	v21 =	vnsel vm0, $0x0, v21;
	v25 =	vtrunc.f32 v25  }
0xb9: {  	v13 =	vcvt.f32.s32 v13;
	v17 =	vtrunc.f32 v17;
	v24 =	vmin.u32 v24, $0xF  }
0xba: {  	v27 =	vld [tilespmem:s23+$0x40];
	v26 =	vshll.u32 v26, $0x7;
	v60 =	vsub.f32 v9, v14;
	v21 =	vmin.u32 v21, $0xF  }
0xbb: {  	v28 =	vld [tilespmem:s23+$0x30];
	v24 =	vshll.u32 v24, $0x7;
	v25 =	vcvt.f32.s32 v25;
	v26 =	vor.u32 v1, v26  }
0xbc: {  	[tilespmem:v20+s4+$0x0] =	vst.idx.add.f32.msk $0xffff, v2;
	vm11 =	vgt.s32 v22, $0x0;
	v17 =	vcvt.f32.s32 v17;
	v24 =	vor.u32 v1, v24  }
0xbd: {  	[tilespmem:v19+s4+$0x0] =	vst.idx.add.f32.msk $0xffff, v2;
	vm13 =	vgt.s32 v18, $0x0;
	v21 =	vshll.u32 v21, $0x7;
	vm1 =	vgt.s32 v13, $0x0  }
0xbe: {  	[tilespmem:v20+s13+$0x0] =	vst.idx.add.f32.msk $0xffff, v23;
	v22 =	vnsel vm11, $0x0, v22;
	v58 =	vnsel vm13, $0x0, v18;
	v21 =	vor.u32 v1, v21  }
0xbf: {  	[tilespmem:v19+s13+$0x0] =	vst.idx.add.f32.msk $0xffff, v15;
	v52 =	vmin.u32 v22, $0xF;
	v13 =	vnsel vm1, $0x0, v13;
	v62 =	vmin.u32 v58, $0xF  }
0xc0: {  	v13 =	vmin.u32 v13, $0xF;
	v55 =	vshll.u32 v52, $0x7;
	v5 =	vsub.f32 v5, v28;
	[tilespmem:v26+s4+$0x0] =	vst.idx.add.f32.msk $0xffff, v2  }
0xc1: {  	v14 =	vshll.u32 v62, $0x7;
	v7 =	vsub.f32 v7, v27;
	v59 =	vor.u32 v1, v55;
	[tilespmem:v24+s4+$0x0] =	vst.idx.add.f32.msk $0xffff, v2  }
0xc2: {  	vm12 =	vgt.s32 v25, $0x0;
	v13 =	vshll.u32 v13, $0x7;
	v14 =	vor.u32 v1, v14;
	[tilespmem:v26+s13+$0x0] =	vst.idx.add.f32.msk $0xffff, v5  }
0xc3: {  	v53 =	vnsel vm12, $0x0, v25;
	v13 =	vor.u32 v1, v13;
	[tilespmem:v24+s13+$0x0] =	vst.idx.add.f32.msk $0xffff, v7  }
0xc4: {  	vm14 =	vgt.s32 v17, $0x0;
	v54 =	vmin.u32 v53, $0xF;
	[tilespmem:v21+s4+$0x0] =	vst.idx.add.f32.msk $0xffff, v2  }
0xc5: {  	v17 =	vnsel vm14, $0x0, v17;
	v15 =	vshll.u32 v54, $0x7;
	[tilespmem:v21+s13+$0x0] =	vst.idx.add.f32.msk $0xffff, v60  }
0xc6: {  	vm15 =	vgt.s32 v16, $0x0;
	v57 =	vmin.u32 v17, $0xF;
	v56 =	vor.u32 v1, v15;
	[tilespmem:v59+s4+$0x0] =	vst.idx.add.f32.msk $0xffff, v2  }
0xc7: {  	v63 =	vnsel vm15, $0x0, v16;
	v15 =	vshll.u32 v57, $0x7;
	[tilespmem:v14+s4+$0x0] =	vst.idx.add.f32.msk $0xffff, v2  }
0xc8: {  	v3 =	vsub.f32 v3, v10;
	v5 =	vmin.u32 v63, $0xF;
	v61 =	vor.u32 v1, v15;
	[tilespmem:v13+s4+$0x0] =	vst.idx.add.f32.msk $0xffff, v2  }
0xc9: {  	v5 =	vshll.u32 v5, $0x7;
	[tilespmem:v59+s13+$0x0] =	vst.idx.add.f32.msk $0xffff, v6  }
0xca: {  	v5 =	vor.u32 v1, v5;
	[tilespmem:v14+s13+$0x0] =	vst.idx.add.f32.msk $0xffff, v3  }
0xcb: {  	p1 =	sne.s32 s22, s21;
	[tilespmem:v56+s4+$0x0] =	vst.idx.add.f32.msk $0xffff, v2  }
0xcc: {  	s22 =	simm.s32 $0x1;
	s20 =	sadd.s32 $0x1, s20;
	p0 =	por p0, p1;
	[tilespmem:v13+s13+$0x0] =	vst.idx.add.f32.msk $0xffff, v4  }
0xcd: {  	s22 =	simm.s32 @!p0 $0x0;
	p0 =	sne.s32 s20, $0x14;
	[tilespmem:v61+s4+$0x0] =	vst.idx.add.f32.msk $0xffff, v2  }
.Ltmp1:
0xce: {  	[tilespmem:v56+s13+$0x0] =	vst.idx.add.f32.msk $0xffff, v8;
	(pc) =	sbr.rel @p0 .LBB2_2-.Ltmp1, $4  }
0xcf: {  	[tilespmem:v5+s4+$0x0] =	vst.idx.add.f32.msk $0xffff, v2  }
0xd0: {  	[tilespmem:v61+s13+$0x0] =	vst.idx.add.f32.msk $0xffff, v12  }
0xd1: {  	s17 =	sadd.s32 s17, s25;
	s18 =	sadd.s32 s22, s18;
	[tilespmem:v5+s13+$0x0] =	vst.idx.add.f32.msk $0xffff, v11  }
0xd2: {  	s16 =	sadd.s32 s22, s16;
	s22 =	smov.u32 s21;
	_ =	strace $0x9000004D  }
0xd3: {  	[hbm4b:s8+s4] =	stream.linear.scatter [tilespmem:s4], [sflag:$0x1], $0x800, $0x38;
	[tilespmem:$0x11000] =	vst v63  }
0xd4: {  	s15 =	sadd.s32 $0x1, s15;
	_ =	swait.ge [sflag:s14], $0x800  }
0xd5: {  	p0 =	sne.s32 s15, s10;
	[sflag:s14] =	ssyncset.done $0x0  }
.Ltmp2:
0xd6: {  	[sflag:s14] =	ssyncadd.s32 $0xFFFFF800;
	(pc) =	sbr.rel @p0 .LBB2_1-.Ltmp2, $4  }
0xd7: {  	[hbm4b:s9+s4] =	stream.linear.scatter [tilespmem:s13], [sflag:$0x1], $0x800, $0x38;
	[tilespmem:$0x11000] =	vst v63  }
0xd8: {  	_ =	swait.ge [sflag:s14], $0x800  }
0xd9: {  	[sflag:s14] =	ssyncset.done $0x0  }
0xda: {  	[sflag:s14] =	ssyncadd.s32 $0xFFFFF800  }
0xdb: {  	_ =	sfence.sel $0x180000  }
0xdc: {  	[bflag:$0x0] =	sbarrier.arrive $0xFFFF  }
0xdd: {  	p0 =	sne.s32 s2, $0x0;
	_ =	strace $0x90000047  }
0xde: {  	s0 =	sadd.s32 @!p0 $0x100000, s1;
	[bflag:$0x2] =	sbarrier.arrive $0xFFFF  }
0xdf: {  	[sflag:s0] =	ssyncadd.tile.s32 @!p0 $0x1;
	_ =	shalt  }
.Lfunc_end2:
_tile_overlayer_lowered:
.L_overlay_start_2:
0xe0: {  	(tag) =	ssettag $0x2  }
0xe1: {  	s0 =	rddreg [dreg:$0x0];
	s2 =	stileid.u32  }
0xe2: {  	s1 =	rddreg [dreg:$0x1];
	p0 =	sne.s32 s2, $0x0  }
0xe3: {  	s3 =	rddreg [dreg:$0x2];
	[bflag:$0x3] =	sbarrier.arrive $0xFFFF;
	s2 =	simm.s32 @!p0 $0x1C01  }
0xe4: {  	[timem:s3], [sflag:s2] =	dma.local @!p0 [hbm:s0], s1  }
0xe5: {  	s0 =	simm.s32 @!p0 $0x1  }
0xe6: {  	_ =	swait.ge @!p0 [sflag:s0], s1  }
0xe7: {  	s1 =	ssub.s32 @!p0 $0x0, s1;
	[sflag:s0] =	ssyncset.done @!p0 $0x0  }
0xe8: {  	[sflag:s0] =	ssyncadd.s32 @!p0 s1  }
0xe9: {  	[bflag:$0x3] =	sbarrier.arrive $0xFFFF  }
0xea: {  	_ =	shalt  }

</sc_bundles>
